<compile_context>
chip_gen: v7x
topology: tpu7x:2x2x1
jax: 0.10.2.dev20260603
libtpu: 0.0.44.dev20260713+nightly
codegen_flags: <defaults>
</compile_context>

<pallas_src>
import functools

import jax
import jax.numpy as jnp
from jax import lax
from jax.experimental import pallas as pl
from jax.experimental.pallas import tpu as pltpu
from jax.experimental.pallas import tpu_sc as plsc

N_LES = 10000
N_EDGE = 320000
DIM = 128
N_PAT = 10000

EBLK = 128
NBLK = N_EDGE // EBLK
NTILES = 32
BLK_PER_TILE = 80
HALF = BLK_PER_TILE // 2
IDXROWS = 48
NBLK_PAD = 2504
PAT_PAD = 10240
PAT_PER_TILE = PAT_PAD // 16


def _prep_body(x_ref, w1_ref, b1_ref, w2_ref, b2_ref, ywt_ref, ex_ref):
    x = x_ref[...]
    h = jnp.tanh(
        jnp.dot(x, w1_ref[...], preferred_element_type=jnp.float32)
        + b1_ref[...]
    )
    s = jnp.sum(h * w2_ref[...], axis=1) + b2_ref[0, 0]
    ex = jnp.exp(s - jnp.max(s))
    ex_ref[0, :] = ex
    ywt_ref[...] = x * ex[:, None]


def _prep(x, w1, b1, w2, b2):
    return pl.pallas_call(
        _prep_body,
        out_shape=[
            jax.ShapeDtypeStruct((N_LES, DIM), jnp.float32),
            jax.ShapeDtypeStruct((1, N_LES), jnp.float32),
        ],
    )(x, w1, b1, w2, b2)


def _make_edge_kernel():
    mesh = plsc.VectorSubcoreMesh(core_axis_name="c", subcore_axis_name="s")

    @functools.partial(
        pl.kernel,
        mesh=mesh,
        out_type=[
            jax.ShapeDtypeStruct((2 * PAT_PAD, DIM), jnp.float32),
            jax.ShapeDtypeStruct((2 * PAT_PAD,), jnp.float32),
        ],
        scratch_types=[
            pltpu.VMEM_SHARED((PAT_PAD, DIM), jnp.float32),
            pltpu.VMEM_SHARED((PAT_PAD,), jnp.float32),
            pltpu.VMEM((IDXROWS, EBLK), jnp.int32),
            pltpu.VMEM((IDXROWS, EBLK), jnp.int32),
            pltpu.VMEM((EBLK, DIM), jnp.float32),
            pltpu.VMEM((EBLK, DIM), jnp.float32),
            pltpu.VMEM((EBLK,), jnp.float32),
            pltpu.VMEM((EBLK,), jnp.float32),
            pltpu.SemaphoreType.DMA,
            pltpu.SemaphoreType.DMA,
        ],
    )
    def edge_kernel(ywt_hbm, exs_hbm, idx_hbm, aggp_hbm, denp_hbm,
                    acc_y, acc_d, lidx_b, pidx_b, rows0, rows1, ex0, ex1,
                    sem0, sem1):
        c = lax.axis_index("c")
        s = lax.axis_index("s")
        w = c * 16 + s
        start = w * BLK_PER_TILE
        cnt = jnp.clip(NBLK - start, 0, BLK_PER_TILE)

        def zero_rows(r, carry):
            for j in range(DIM // 16):
                rows0[r, pl.ds(j * 16, 16)] = jnp.zeros((16,), jnp.float32)
            return carry

        lax.fori_loop(0, EBLK, zero_rows, 0)

        base = s * PAT_PER_TILE
        for i in range(5):
            pltpu.async_copy(rows0,
                             acc_y.at[pl.ds(base + i * EBLK, EBLK)], sem1)
            pltpu.async_copy(rows0.at[0],
                             acc_d.at[pl.ds(base + i * EBLK, EBLK)], sem1)
        for i in range(5):
            pltpu.make_async_copy(rows0,
                                  acc_y.at[pl.ds(base + i * EBLK, EBLK)],
                                  sem1).wait()
            pltpu.make_async_copy(rows0.at[0],
                                  acc_d.at[pl.ds(base + i * EBLK, EBLK)],
                                  sem1).wait()

        plsc.subcore_barrier()

        for p in range(BLK_PER_TILE // HALF):
            pcnt = jnp.clip(cnt - p * HALF, 0, HALF)
            sc_p = jnp.minimum(start + p * HALF, NBLK_PAD - IDXROWS)
            jo = start + p * HALF - sc_p

            @pl.when(pcnt > 0)
            def _():
                pltpu.sync_copy(idx_hbm.at[1, pl.ds(sc_p, IDXROWS)], lidx_b)
                pltpu.sync_copy(idx_hbm.at[0, pl.ds(sc_p, IDXROWS)], pidx_b)

            def start_gathers(j, rows, ex, sem):
                @pl.when(j < pcnt)
                def _():
                    pltpu.async_copy(ywt_hbm.at[lidx_b.at[jo + j]], rows, sem)
                    pltpu.async_copy(exs_hbm.at[lidx_b.at[jo + j]], ex, sem)

            def finish_block(j, rows, ex, sem):
                @pl.when(j < pcnt)
                def _():
                    pltpu.make_async_copy(ywt_hbm.at[pl.ds(0, EBLK)], rows,
                                          sem).wait()
                    pltpu.make_async_copy(exs_hbm.at[pl.ds(0, EBLK)], ex,
                                          sem).wait()
                    pltpu.sync_copy(rows, acc_y.at[pidx_b.at[jo + j]], add=True)
                    pltpu.sync_copy(ex, acc_d.at[pidx_b.at[jo + j]], add=True)

            start_gathers(jnp.int32(0), rows0, ex0, sem0)

            def pair_body(t, carry):
                j0 = 2 * t
                start_gathers(j0 + 1, rows1, ex1, sem1)
                finish_block(j0, rows0, ex0, sem0)
                start_gathers(j0 + 2, rows0, ex0, sem0)
                finish_block(j0 + 1, rows1, ex1, sem1)
                return carry

            lax.fori_loop(0, HALF // 2, pair_body, 0)

        plsc.subcore_barrier()

        bufs = (rows0, rows1)
        pltpu.sync_copy(acc_y.at[pl.ds(base, EBLK)], rows0)
        for i in range(5):
            if i + 1 < 5:
                pltpu.async_copy(acc_y.at[pl.ds(base + (i + 1) * EBLK, EBLK)],
                                 bufs[(i + 1) % 2], sem1)
            pltpu.sync_copy(
                bufs[i % 2],
                aggp_hbm.at[pl.ds(c * PAT_PAD + base + i * EBLK, EBLK)])
            if i + 1 < 5:
                pltpu.make_async_copy(
                    acc_y.at[pl.ds(base + (i + 1) * EBLK, EBLK)],
                    bufs[(i + 1) % 2], sem1).wait()

        for i in range(5):
            pltpu.sync_copy(acc_d.at[pl.ds(base + i * EBLK, EBLK)], rows0.at[0])
            pltpu.sync_copy(
                rows0.at[0],
                denp_hbm.at[pl.ds(c * PAT_PAD + base + i * EBLK, EBLK)])

    return edge_kernel


_edge_kernel = _make_edge_kernel()


def _final_body(aggp_ref, denp_ref, g_ref, b_ref, out_ref):
    a3 = aggp_ref[...]
    agg = a3[0] + a3[1]
    d4 = denp_ref[...]
    den = d4[0, 0, 0] + d4[1, 0, 0]
    den = jnp.where(den > 0.0, den, 1.0)
    a = agg / den[:, None]
    mu = jnp.mean(a, axis=1, keepdims=True)
    var = jnp.mean((a - mu) ** 2, axis=1, keepdims=True)
    out_ref[...] = (a - mu) * lax.rsqrt(var + 1e-5) * g_ref[...] + b_ref[...]


FBLK = 1024


def _finalize(aggp, denp, gamma, beta):
    return pl.pallas_call(
        _final_body,
        grid=(PAT_PAD // FBLK,),
        in_specs=[
            pl.BlockSpec((2, FBLK, DIM), lambda i: (0, i, 0)),
            pl.BlockSpec((2, 1, 1, FBLK), lambda i: (0, i, 0, 0)),
            pl.BlockSpec((1, DIM), lambda i: (0, 0)),
            pl.BlockSpec((1, DIM), lambda i: (0, 0)),
        ],
        out_specs=pl.BlockSpec((FBLK, DIM), lambda i: (i, 0)),
        out_shape=jax.ShapeDtypeStruct((N_PAT, DIM), jnp.float32),
    )(aggp, denp, gamma, beta)


def kernel(lesion_x, edge_index, num_patients, W1, b1, W2, b2, gamma, beta):
    del num_patients
    x = lesion_x.astype(jnp.float32)
    idx2 = jnp.pad(edge_index.astype(jnp.int32),
                   ((0, 0), (0, (NBLK_PAD - NBLK) * EBLK))
                   ).reshape(2, NBLK_PAD, EBLK)

    ywt, ex = _prep(x, W1, b1.reshape(1, DIM), W2.reshape(1, DIM),
                    b2.reshape(1, 1))
    exs = ex.reshape(N_LES)

    aggp, denp = _edge_kernel(ywt, exs, idx2)

    return _finalize(aggp.reshape(2, PAT_PAD, DIM),
                     denp.reshape(2, PAT_PAD // FBLK, 1, FBLK),
                     gamma.reshape(1, DIM), beta.reshape(1, DIM))

# --- scband reference (transcript-rebuilt; emitter-appended) ---
"""Pipeline reference for scband-radiology-lesion-attention-aggregator-214748364981 (READ-ONLY COPY).

The authoritative reference and input builder live on the scoring server;
editing this copy changes nothing except your own understanding.
"""

import jax, jax.numpy as jnp
import numpy as np

N, E, D, P = 10000, 320000, 128, 10000

def setup_inputs(seed: int = 0) -> dict:
    key = jax.random.key(seed)
    ks = jax.random.split(key, 8)
    lesion_x = jax.random.normal(ks[0], (N, D), dtype=jnp.float32)
    edge_index = jax.random.randint(ks[1], (2, E), 0, P, dtype=jnp.int32)
    W1 = jax.random.normal(ks[2], (D, D), dtype=jnp.float32) * 0.05
    b1 = jnp.zeros((D,), dtype=jnp.float32)
    W2 = jax.random.normal(ks[3], (D, 1), dtype=jnp.float32) * 0.05
    b2 = jnp.zeros((1,), dtype=jnp.float32)
    gamma = jnp.ones((D,), dtype=jnp.float32)
    beta = jnp.zeros((D,), dtype=jnp.float32)
    return {"lesion_x": lesion_x, "edge_index": edge_index, "num_patients": P,
            "W1": W1, "b1": b1, "W2": W2, "b2": b2, "gamma": gamma, "beta": beta}

def reference(lesion_x, edge_index, num_patients, W1, b1, W2, b2, gamma, beta):
    num_patients = jnp.asarray(num_patients, dtype=jnp.int32)
    pidx = edge_index[0] + (num_patients - num_patients)
    lidx = edge_index[1]
    relevant = jnp.take(lesion_x, lidx, axis=0)
    h = jnp.tanh(relevant @ W1 + b1)
    scores = (h @ W2 + b2).squeeze(-1)
    smax = jax.ops.segment_max(scores, pidx, num_segments=P)
    stab = scores - jnp.take(smax, pidx, axis=0)
    ex = jnp.exp(stab)
    denom = jax.ops.segment_sum(ex, pidx, num_segments=P)
    denom = jnp.clip(denom, 1e-12, None)
    alpha = ex / jnp.take(denom, pidx, axis=0)
    weighted = relevant * alpha[:, None]
    agg = jax.ops.segment_sum(weighted, pidx, num_segments=P)
    # output_projection is Identity (dims equal), dropout p=0.0 -> identity
    mean = jnp.mean(agg, axis=-1, keepdims=True)
    var = jnp.mean((agg - mean) ** 2, axis=-1, keepdims=True)
    normed = (agg - mean) / jnp.sqrt(var + 1e-5) * gamma + beta
    return normed

if __name__ == "__main__":
    import jax
    _d = setup_inputs()
    print(jax.jit(kernel)(*tuple(_d.values())))

</pallas_src>

<mosaic_0001>
#map = affine_map<(d0, d1) -> (0, 0)>
#map1 = affine_map<(d0, d1) -> (0)>
#map2 = affine_map<(d0, d1) -> (0, 0, 0)>
module attributes {stable_mosaic.version = 14 : i64} {
  func.func @edge_kernel(%arg0: i32, %arg1: i32, %arg2: memref<10000x128xf32, #tpu.memory_space<hbm>>, %arg3: memref<10000xf32, #tpu.memory_space<hbm>>, %arg4: memref<2x2504x128xi32, #tpu.memory_space<hbm>>, %arg5: memref<20480x128xf32, #tpu.memory_space<hbm>>, %arg6: memref<20480xf32, #tpu.memory_space<hbm>>, %arg7: memref<10240x128xf32, #tpu.memory_space<vmem_shared>>, %arg8: memref<10240xf32, #tpu.memory_space<vmem_shared>>, %arg9: memref<48x128xi32, #tpu.memory_space<vmem>>, %arg10: memref<48x128xi32, #tpu.memory_space<vmem>>, %arg11: memref<128x128xf32, #tpu.memory_space<vmem>>, %arg12: memref<128x128xf32, #tpu.memory_space<vmem>>, %arg13: memref<128xf32, #tpu.memory_space<vmem>>, %arg14: memref<128xf32, #tpu.memory_space<vmem>>, %arg15: memref<!tpu.dma_semaphore, #tpu.memory_space<semaphore_mem>>, %arg16: memref<!tpu.dma_semaphore, #tpu.memory_space<semaphore_mem>>) attributes {dimension_semantics = [#tpu.dimension_semantics<core_parallel>, #tpu.dimension_semantics<subcore_parallel>], iteration_bounds = array<i64: 2, 16>, scalar_prefetch = 0 : i64, scratch_operands = 10 : i64, tpu.core_type = #tpu.core_type<sc_vector_subcore>, window_params = [{transform_indices = #map}, {transform_indices = #map1}, {transform_indices = #map2}, {transform_indices = #map}, {transform_indices = #map1}]} {
    %mul3A = arith.constant 16 : i32
    %mul3A_0 = arith.muli %arg0, %mul3A : i32
    %add3A = arith.addi %mul3A_0, %arg1 : i32
    %mul3A_1 = arith.constant 80 : i32
    %mul3A_2 = arith.muli %add3A, %mul3A_1 : i32
    %sub3A = arith.constant 2500 : i32
    %sub3A_3 = arith.subi %sub3A, %mul3A_2 : i32
    %jit3A = arith.constant 0 : i32
    %jit3A_4 = arith.constant 80 : i32
    %max3A = arith.maxsi %jit3A, %sub3A_3 : i32
    %min3A = arith.minsi %jit3A_4, %max3A : i32
    %scan3A = arith.constant 0 : i32
    %scan3A_5 = arith.constant 0 : i32
    %scan3A_6 = arith.constant 128 : i32
    %scan3A_7 = arith.addi %scan3A_5, %scan3A_6 : i32
    %scan3A_8 = arith.constant 1 : i32
    scf.for %scan3A_354 = %scan3A_5 to %scan3A_7 step %scan3A_8  : i32 {
      %broadcast_in_dim3A = arith.constant 0.000000e+00 : f32
      %broadcast_in_dim3A_355 = vector.broadcast %broadcast_in_dim3A : f32 to vector<16xf32>
      %swap3A = arith.index_cast %scan3A_354 : i32 to index
      %swap3A_356 = arith.constant 0 : index
      %swap3A_357 = tpu.vector_load %arg11[%swap3A, %swap3A_356] {strides = array<i32>} : memref<128x128xf32, #tpu.memory_space<vmem>>, vector<1x16xf32>,
      %swap3A_358 = vector.shape_cast %swap3A_357 : vector<1x16xf32> to vector<16xf32>
      %swap3A_359 = vector.shape_cast %broadcast_in_dim3A_355 : vector<16xf32> to vector<1x16xf32>
      tpu.vector_store %arg11[%swap3A, %swap3A_356], %swap3A_359 {strides = array<i32>} : memref<128x128xf32, #tpu.memory_space<vmem>>, vector<1x16xf32>,
      %broadcast_in_dim3A_360 = arith.constant 0.000000e+00 : f32
      %broadcast_in_dim3A_361 = vector.broadcast %broadcast_in_dim3A_360 : f32 to vector<16xf32>
      %swap3A_362 = arith.index_cast %scan3A_354 : i32 to index
      %swap3A_363 = arith.constant 16 : index
      %swap3A_364 = tpu.vector_load %arg11[%swap3A_362, %swap3A_363] {strides = array<i32>} : memref<128x128xf32, #tpu.memory_space<vmem>>, vector<1x16xf32>,
      %swap3A_365 = vector.shape_cast %swap3A_364 : vector<1x16xf32> to vector<16xf32>
      %swap3A_366 = vector.shape_cast %broadcast_in_dim3A_361 : vector<16xf32> to vector<1x16xf32>
      tpu.vector_store %arg11[%swap3A_362, %swap3A_363], %swap3A_366 {strides = array<i32>} : memref<128x128xf32, #tpu.memory_space<vmem>>, vector<1x16xf32>,
      %broadcast_in_dim3A_367 = arith.constant 0.000000e+00 : f32
      %broadcast_in_dim3A_368 = vector.broadcast %broadcast_in_dim3A_367 : f32 to vector<16xf32>
      %swap3A_369 = arith.index_cast %scan3A_354 : i32 to index
      %swap3A_370 = arith.constant 32 : index
      %swap3A_371 = tpu.vector_load %arg11[%swap3A_369, %swap3A_370] {strides = array<i32>} : memref<128x128xf32, #tpu.memory_space<vmem>>, vector<1x16xf32>,
      %swap3A_372 = vector.shape_cast %swap3A_371 : vector<1x16xf32> to vector<16xf32>
      %swap3A_373 = vector.shape_cast %broadcast_in_dim3A_368 : vector<16xf32> to vector<1x16xf32>
      tpu.vector_store %arg11[%swap3A_369, %swap3A_370], %swap3A_373 {strides = array<i32>} : memref<128x128xf32, #tpu.memory_space<vmem>>, vector<1x16xf32>,
      %broadcast_in_dim3A_374 = arith.constant 0.000000e+00 : f32
      %broadcast_in_dim3A_375 = vector.broadcast %broadcast_in_dim3A_374 : f32 to vector<16xf32>
      %swap3A_376 = arith.index_cast %scan3A_354 : i32 to index
      %swap3A_377 = arith.constant 48 : index
      %swap3A_378 = tpu.vector_load %arg11[%swap3A_376, %swap3A_377] {strides = array<i32>} : memref<128x128xf32, #tpu.memory_space<vmem>>, vector<1x16xf32>,
      %swap3A_379 = vector.shape_cast %swap3A_378 : vector<1x16xf32> to vector<16xf32>
      %swap3A_380 = vector.shape_cast %broadcast_in_dim3A_375 : vector<16xf32> to vector<1x16xf32>
      tpu.vector_store %arg11[%swap3A_376, %swap3A_377], %swap3A_380 {strides = array<i32>} : memref<128x128xf32, #tpu.memory_space<vmem>>, vector<1x16xf32>,
      %broadcast_in_dim3A_381 = arith.constant 0.000000e+00 : f32
      %broadcast_in_dim3A_382 = vector.broadcast %broadcast_in_dim3A_381 : f32 to vector<16xf32>
      %swap3A_383 = arith.index_cast %scan3A_354 : i32 to index
      %swap3A_384 = arith.constant 64 : index
      %swap3A_385 = tpu.vector_load %arg11[%swap3A_383, %swap3A_384] {strides = array<i32>} : memref<128x128xf32, #tpu.memory_space<vmem>>, vector<1x16xf32>,
      %swap3A_386 = vector.shape_cast %swap3A_385 : vector<1x16xf32> to vector<16xf32>
      %swap3A_387 = vector.shape_cast %broadcast_in_dim3A_382 : vector<16xf32> to vector<1x16xf32>
      tpu.vector_store %arg11[%swap3A_383, %swap3A_384], %swap3A_387 {strides = array<i32>} : memref<128x128xf32, #tpu.memory_space<vmem>>, vector<1x16xf32>,
      %broadcast_in_dim3A_388 = arith.constant 0.000000e+00 : f32
      %broadcast_in_dim3A_389 = vector.broadcast %broadcast_in_dim3A_388 : f32 to vector<16xf32>
      %swap3A_390 = arith.index_cast %scan3A_354 : i32 to index
      %swap3A_391 = arith.constant 80 : index
      %swap3A_392 = tpu.vector_load %arg11[%swap3A_390, %swap3A_391] {strides = array<i32>} : memref<128x128xf32, #tpu.memory_space<vmem>>, vector<1x16xf32>,
      %swap3A_393 = vector.shape_cast %swap3A_392 : vector<1x16xf32> to vector<16xf32>
      %swap3A_394 = vector.shape_cast %broadcast_in_dim3A_389 : vector<16xf32> to vector<1x16xf32>
      tpu.vector_store %arg11[%swap3A_390, %swap3A_391], %swap3A_394 {strides = array<i32>} : memref<128x128xf32, #tpu.memory_space<vmem>>, vector<1x16xf32>,
      %broadcast_in_dim3A_395 = arith.constant 0.000000e+00 : f32
      %broadcast_in_dim3A_396 = vector.broadcast %broadcast_in_dim3A_395 : f32 to vector<16xf32>
      %swap3A_397 = arith.index_cast %scan3A_354 : i32 to index
      %swap3A_398 = arith.constant 96 : index
      %swap3A_399 = tpu.vector_load %arg11[%swap3A_397, %swap3A_398] {strides = array<i32>} : memref<128x128xf32, #tpu.memory_space<vmem>>, vector<1x16xf32>,
      %swap3A_400 = vector.shape_cast %swap3A_399 : vector<1x16xf32> to vector<16xf32>
      %swap3A_401 = vector.shape_cast %broadcast_in_dim3A_396 : vector<16xf32> to vector<1x16xf32>
      tpu.vector_store %arg11[%swap3A_397, %swap3A_398], %swap3A_401 {strides = array<i32>} : memref<128x128xf32, #tpu.memory_space<vmem>>, vector<1x16xf32>,
      %broadcast_in_dim3A_402 = arith.constant 0.000000e+00 : f32
      %broadcast_in_dim3A_403 = vector.broadcast %broadcast_in_dim3A_402 : f32 to vector<16xf32>
      %swap3A_404 = arith.index_cast %scan3A_354 : i32 to index
      %swap3A_405 = arith.constant 112 : index
      %swap3A_406 = tpu.vector_load %arg11[%swap3A_404, %swap3A_405] {strides = array<i32>} : memref<128x128xf32, #tpu.memory_space<vmem>>, vector<1x16xf32>,
      %swap3A_407 = vector.shape_cast %swap3A_406 : vector<1x16xf32> to vector<16xf32>
      %swap3A_408 = vector.shape_cast %broadcast_in_dim3A_403 : vector<16xf32> to vector<1x16xf32>
      tpu.vector_store %arg11[%swap3A_404, %swap3A_405], %swap3A_408 {strides = array<i32>} : memref<128x128xf32, #tpu.memory_space<vmem>>, vector<1x16xf32>,
    }
    %scan3A_9 = arith.constant 128 : i32
    %mul3A_10 = arith.constant 640 : i32
    %mul3A_11 = arith.muli %arg1, %mul3A_10 : i32
    %add3A_12 = arith.constant 0 : i32
    %add3A_13 = arith.addi %mul3A_11, %add3A_12 : i32
    %dma_start3A = arith.constant 0 : i32
    %dma_start3A_14 = tpu.memref_slice %arg7[%add3A_13, %dma_start3A] : memref<10240x128xf32, #tpu.memory_space<vmem_shared>> -> memref<128x128xf32, #tpu.memory_space<vmem_shared>>
    %dma_start3A_15 = arith.constant 0 : i32
    %dma_start3A_16 = tpu.memref_slice %arg7[%add3A_13, %dma_start3A_15] : memref<10240x128xf32, #tpu.memory_space<vmem_shared>> -> memref<128x128xf32, #tpu.memory_space<vmem_shared>>
    tpu.enqueue_dma source(%arg11 : memref<128x128xf32, #tpu.memory_space<vmem>>) target(%dma_start3A_16 : memref<128x128xf32, #tpu.memory_space<vmem_shared>>) target_semaphore(%arg16 : memref<!tpu.dma_semaphore, #tpu.memory_space<semaphore_mem>>)
    %add3A_17 = arith.constant 0 : i32
    %add3A_18 = arith.addi %mul3A_11, %add3A_17 : i32
    %dma_start3A_19 = arith.constant 0 : i32
    %dma_start3A_20 = arith.constant 0 : i32
    %dma_start3A_21 = tpu.memref_slice %arg11[%dma_start3A_19, %dma_start3A_20] : memref<128x128xf32, #tpu.memory_space<vmem>> -> memref<1x128xf32, #tpu.memory_space<vmem>>
    %dma_start3A_22 = tpu.memref_squeeze %dma_start3A_21 : memref<1x128xf32, #tpu.memory_space<vmem>> -> memref<128xf32, #tpu.memory_space<vmem>>
    %dma_start3A_23 = tpu.memref_slice %arg8[%add3A_18] : memref<10240xf32, #tpu.memory_space<vmem_shared>> -> memref<128xf32, #tpu.memory_space<vmem_shared>>
    %dma_start3A_24 = tpu.memref_slice %arg8[%add3A_18] : memref<10240xf32, #tpu.memory_space<vmem_shared>> -> memref<128xf32, #tpu.memory_space<vmem_shared>>
    %dma_start3A_25 = arith.constant 0 : i32
    %dma_start3A_26 = tpu.memref_slice %arg11[%dma_start3A_19, %dma_start3A_25] : memref<128x128xf32, #tpu.memory_space<vmem>> -> memref<1x128xf32, #tpu.memory_space<vmem>>
    %dma_start3A_27 = tpu.memref_squeeze %dma_start3A_26 : memref<1x128xf32, #tpu.memory_space<vmem>> -> memref<128xf32, #tpu.memory_space<vmem>>
    tpu.enqueue_dma source(%dma_start3A_27 : memref<128xf32, #tpu.memory_space<vmem>>) target(%dma_start3A_24 : memref<128xf32, #tpu.memory_space<vmem_shared>>) target_semaphore(%arg16 : memref<!tpu.dma_semaphore, #tpu.memory_space<semaphore_mem>>)
    %add3A_28 = arith.constant 128 : i32
    %add3A_29 = arith.addi %mul3A_11, %add3A_28 : i32
    %dma_start3A_30 = arith.constant 0 : i32
    %dma_start3A_31 = tpu.memref_slice %arg7[%add3A_29, %dma_start3A_30] : memref<10240x128xf32, #tpu.memory_space<vmem_shared>> -> memref<128x128xf32, #tpu.memory_space<vmem_shared>>
    %dma_start3A_32 = arith.constant 0 : i32
    %dma_start3A_33 = tpu.memref_slice %arg7[%add3A_29, %dma_start3A_32] : memref<10240x128xf32, #tpu.memory_space<vmem_shared>> -> memref<128x128xf32, #tpu.memory_space<vmem_shared>>
    tpu.enqueue_dma source(%arg11 : memref<128x128xf32, #tpu.memory_space<vmem>>) target(%dma_start3A_33 : memref<128x128xf32, #tpu.memory_space<vmem_shared>>) target_semaphore(%arg16 : memref<!tpu.dma_semaphore, #tpu.memory_space<semaphore_mem>>)
    %add3A_34 = arith.constant 128 : i32
    %add3A_35 = arith.addi %mul3A_11, %add3A_34 : i32
    %dma_start3A_36 = arith.constant 0 : i32
    %dma_start3A_37 = arith.constant 0 : i32
    %dma_start3A_38 = tpu.memref_slice %arg11[%dma_start3A_36, %dma_start3A_37] : memref<128x128xf32, #tpu.memory_space<vmem>> -> memref<1x128xf32, #tpu.memory_space<vmem>>
    %dma_start3A_39 = tpu.memref_squeeze %dma_start3A_38 : memref<1x128xf32, #tpu.memory_space<vmem>> -> memref<128xf32, #tpu.memory_space<vmem>>
    %dma_start3A_40 = tpu.memref_slice %arg8[%add3A_35] : memref<10240xf32, #tpu.memory_space<vmem_shared>> -> memref<128xf32, #tpu.memory_space<vmem_shared>>
    %dma_start3A_41 = tpu.memref_slice %arg8[%add3A_35] : memref<10240xf32, #tpu.memory_space<vmem_shared>> -> memref<128xf32, #tpu.memory_space<vmem_shared>>
    %dma_start3A_42 = arith.constant 0 : i32
    %dma_start3A_43 = tpu.memref_slice %arg11[%dma_start3A_36, %dma_start3A_42] : memref<128x128xf32, #tpu.memory_space<vmem>> -> memref<1x128xf32, #tpu.memory_space<vmem>>
    %dma_start3A_44 = tpu.memref_squeeze %dma_start3A_43 : memref<1x128xf32, #tpu.memory_space<vmem>> -> memref<128xf32, #tpu.memory_space<vmem>>
    tpu.enqueue_dma source(%dma_start3A_44 : memref<128xf32, #tpu.memory_space<vmem>>) target(%dma_start3A_41 : memref<128xf32, #tpu.memory_space<vmem_shared>>) target_semaphore(%arg16 : memref<!tpu.dma_semaphore, #tpu.memory_space<semaphore_mem>>)
    %add3A_45 = arith.constant 256 : i32
    %add3A_46 = arith.addi %mul3A_11, %add3A_45 : i32
    %dma_start3A_47 = arith.constant 0 : i32
    %dma_start3A_48 = tpu.memref_slice %arg7[%add3A_46, %dma_start3A_47] : memref<10240x128xf32, #tpu.memory_space<vmem_shared>> -> memref<128x128xf32, #tpu.memory_space<vmem_shared>>
    %dma_start3A_49 = arith.constant 0 : i32
    %dma_start3A_50 = tpu.memref_slice %arg7[%add3A_46, %dma_start3A_49] : memref<10240x128xf32, #tpu.memory_space<vmem_shared>> -> memref<128x128xf32, #tpu.memory_space<vmem_shared>>
    tpu.enqueue_dma source(%arg11 : memref<128x128xf32, #tpu.memory_space<vmem>>) target(%dma_start3A_50 : memref<128x128xf32, #tpu.memory_space<vmem_shared>>) target_semaphore(%arg16 : memref<!tpu.dma_semaphore, #tpu.memory_space<semaphore_mem>>)
    %add3A_51 = arith.constant 256 : i32
    %add3A_52 = arith.addi %mul3A_11, %add3A_51 : i32
    %dma_start3A_53 = arith.constant 0 : i32
    %dma_start3A_54 = arith.constant 0 : i32
    %dma_start3A_55 = tpu.memref_slice %arg11[%dma_start3A_53, %dma_start3A_54] : memref<128x128xf32, #tpu.memory_space<vmem>> -> memref<1x128xf32, #tpu.memory_space<vmem>>
    %dma_start3A_56 = tpu.memref_squeeze %dma_start3A_55 : memref<1x128xf32, #tpu.memory_space<vmem>> -> memref<128xf32, #tpu.memory_space<vmem>>
    %dma_start3A_57 = tpu.memref_slice %arg8[%add3A_52] : memref<10240xf32, #tpu.memory_space<vmem_shared>> -> memref<128xf32, #tpu.memory_space<vmem_shared>>
    %dma_start3A_58 = tpu.memref_slice %arg8[%add3A_52] : memref<10240xf32, #tpu.memory_space<vmem_shared>> -> memref<128xf32, #tpu.memory_space<vmem_shared>>
    %dma_start3A_59 = arith.constant 0 : i32
    %dma_start3A_60 = tpu.memref_slice %arg11[%dma_start3A_53, %dma_start3A_59] : memref<128x128xf32, #tpu.memory_space<vmem>> -> memref<1x128xf32, #tpu.memory_space<vmem>>
    %dma_start3A_61 = tpu.memref_squeeze %dma_start3A_60 : memref<1x128xf32, #tpu.memory_space<vmem>> -> memref<128xf32, #tpu.memory_space<vmem>>
    tpu.enqueue_dma source(%dma_start3A_61 : memref<128xf32, #tpu.memory_space<vmem>>) target(%dma_start3A_58 : memref<128xf32, #tpu.memory_space<vmem_shared>>) target_semaphore(%arg16 : memref<!tpu.dma_semaphore, #tpu.memory_space<semaphore_mem>>)
    %add3A_62 = arith.constant 384 : i32
    %add3A_63 = arith.addi %mul3A_11, %add3A_62 : i32
    %dma_start3A_64 = arith.constant 0 : i32
    %dma_start3A_65 = tpu.memref_slice %arg7[%add3A_63, %dma_start3A_64] : memref<10240x128xf32, #tpu.memory_space<vmem_shared>> -> memref<128x128xf32, #tpu.memory_space<vmem_shared>>
    %dma_start3A_66 = arith.constant 0 : i32
    %dma_start3A_67 = tpu.memref_slice %arg7[%add3A_63, %dma_start3A_66] : memref<10240x128xf32, #tpu.memory_space<vmem_shared>> -> memref<128x128xf32, #tpu.memory_space<vmem_shared>>
    tpu.enqueue_dma source(%arg11 : memref<128x128xf32, #tpu.memory_space<vmem>>) target(%dma_start3A_67 : memref<128x128xf32, #tpu.memory_space<vmem_shared>>) target_semaphore(%arg16 : memref<!tpu.dma_semaphore, #tpu.memory_space<semaphore_mem>>)
    %add3A_68 = arith.constant 384 : i32
    %add3A_69 = arith.addi %mul3A_11, %add3A_68 : i32
    %dma_start3A_70 = arith.constant 0 : i32
    %dma_start3A_71 = arith.constant 0 : i32
    %dma_start3A_72 = tpu.memref_slice %arg11[%dma_start3A_70, %dma_start3A_71] : memref<128x128xf32, #tpu.memory_space<vmem>> -> memref<1x128xf32, #tpu.memory_space<vmem>>
    %dma_start3A_73 = tpu.memref_squeeze %dma_start3A_72 : memref<1x128xf32, #tpu.memory_space<vmem>> -> memref<128xf32, #tpu.memory_space<vmem>>
    %dma_start3A_74 = tpu.memref_slice %arg8[%add3A_69] : memref<10240xf32, #tpu.memory_space<vmem_shared>> -> memref<128xf32, #tpu.memory_space<vmem_shared>>
    %dma_start3A_75 = tpu.memref_slice %arg8[%add3A_69] : memref<10240xf32, #tpu.memory_space<vmem_shared>> -> memref<128xf32, #tpu.memory_space<vmem_shared>>
    %dma_start3A_76 = arith.constant 0 : i32
    %dma_start3A_77 = tpu.memref_slice %arg11[%dma_start3A_70, %dma_start3A_76] : memref<128x128xf32, #tpu.memory_space<vmem>> -> memref<1x128xf32, #tpu.memory_space<vmem>>
    %dma_start3A_78 = tpu.memref_squeeze %dma_start3A_77 : memref<1x128xf32, #tpu.memory_space<vmem>> -> memref<128xf32, #tpu.memory_space<vmem>>
    tpu.enqueue_dma source(%dma_start3A_78 : memref<128xf32, #tpu.memory_space<vmem>>) target(%dma_start3A_75 : memref<128xf32, #tpu.memory_space<vmem_shared>>) target_semaphore(%arg16 : memref<!tpu.dma_semaphore, #tpu.memory_space<semaphore_mem>>)
    %add3A_79 = arith.constant 512 : i32
    %add3A_80 = arith.addi %mul3A_11, %add3A_79 : i32
    %dma_start3A_81 = arith.constant 0 : i32
    %dma_start3A_82 = tpu.memref_slice %arg7[%add3A_80, %dma_start3A_81] : memref<10240x128xf32, #tpu.memory_space<vmem_shared>> -> memref<128x128xf32, #tpu.memory_space<vmem_shared>>
    %dma_start3A_83 = arith.constant 0 : i32
    %dma_start3A_84 = tpu.memref_slice %arg7[%add3A_80, %dma_start3A_83] : memref<10240x128xf32, #tpu.memory_space<vmem_shared>> -> memref<128x128xf32, #tpu.memory_space<vmem_shared>>
    tpu.enqueue_dma source(%arg11 : memref<128x128xf32, #tpu.memory_space<vmem>>) target(%dma_start3A_84 : memref<128x128xf32, #tpu.memory_space<vmem_shared>>) target_semaphore(%arg16 : memref<!tpu.dma_semaphore, #tpu.memory_space<semaphore_mem>>)
    %add3A_85 = arith.constant 512 : i32
    %add3A_86 = arith.addi %mul3A_11, %add3A_85 : i32
    %dma_start3A_87 = arith.constant 0 : i32
    %dma_start3A_88 = arith.constant 0 : i32
    %dma_start3A_89 = tpu.memref_slice %arg11[%dma_start3A_87, %dma_start3A_88] : memref<128x128xf32, #tpu.memory_space<vmem>> -> memref<1x128xf32, #tpu.memory_space<vmem>>
    %dma_start3A_90 = tpu.memref_squeeze %dma_start3A_89 : memref<1x128xf32, #tpu.memory_space<vmem>> -> memref<128xf32, #tpu.memory_space<vmem>>
    %dma_start3A_91 = tpu.memref_slice %arg8[%add3A_86] : memref<10240xf32, #tpu.memory_space<vmem_shared>> -> memref<128xf32, #tpu.memory_space<vmem_shared>>
    %dma_start3A_92 = tpu.memref_slice %arg8[%add3A_86] : memref<10240xf32, #tpu.memory_space<vmem_shared>> -> memref<128xf32, #tpu.memory_space<vmem_shared>>
    %dma_start3A_93 = arith.constant 0 : i32
    %dma_start3A_94 = tpu.memref_slice %arg11[%dma_start3A_87, %dma_start3A_93] : memref<128x128xf32, #tpu.memory_space<vmem>> -> memref<1x128xf32, #tpu.memory_space<vmem>>
    %dma_start3A_95 = tpu.memref_squeeze %dma_start3A_94 : memref<1x128xf32, #tpu.memory_space<vmem>> -> memref<128xf32, #tpu.memory_space<vmem>>
    tpu.enqueue_dma source(%dma_start3A_95 : memref<128xf32, #tpu.memory_space<vmem>>) target(%dma_start3A_92 : memref<128xf32, #tpu.memory_space<vmem_shared>>) target_semaphore(%arg16 : memref<!tpu.dma_semaphore, #tpu.memory_space<semaphore_mem>>)
    %add3A_96 = arith.constant 0 : i32
    %add3A_97 = arith.addi %mul3A_11, %add3A_96 : i32
    %dma_wait3A = arith.constant 0 : i32
    %dma_wait3A_98 = tpu.memref_slice %arg7[%add3A_97, %dma_wait3A] : memref<10240x128xf32, #tpu.memory_space<vmem_shared>> -> memref<128x128xf32, #tpu.memory_space<vmem_shared>>
    %dma_wait3A_99 = arith.constant 0 : i32
    %dma_wait3A_100 = tpu.memref_slice %arg7[%add3A_97, %dma_wait3A_99] : memref<10240x128xf32, #tpu.memory_space<vmem_shared>> -> memref<128x128xf32, #tpu.memory_space<vmem_shared>>
    tpu.wait_dma2 semaphore(%arg16 : memref<!tpu.dma_semaphore, #tpu.memory_space<semaphore_mem>>) src(%arg11 : memref<128x128xf32, #tpu.memory_space<vmem>>) dst(%dma_wait3A_100 : memref<128x128xf32, #tpu.memory_space<vmem_shared>>)
    %add3A_101 = arith.constant 0 : i32
    %add3A_102 = arith.addi %mul3A_11, %add3A_101 : i32
    %dma_wait3A_103 = arith.constant 0 : i32
    %dma_wait3A_104 = arith.constant 0 : i32
    %dma_wait3A_105 = tpu.memref_slice %arg11[%dma_wait3A_103, %dma_wait3A_104] : memref<128x128xf32, #tpu.memory_space<vmem>> -> memref<1x128xf32, #tpu.memory_space<vmem>>
    %dma_wait3A_106 = tpu.memref_squeeze %dma_wait3A_105 : memref<1x128xf32, #tpu.memory_space<vmem>> -> memref<128xf32, #tpu.memory_space<vmem>>
    %dma_wait3A_107 = tpu.memref_slice %arg8[%add3A_102] : memref<10240xf32, #tpu.memory_space<vmem_shared>> -> memref<128xf32, #tpu.memory_space<vmem_shared>>
    %dma_wait3A_108 = tpu.memref_slice %arg8[%add3A_102] : memref<10240xf32, #tpu.memory_space<vmem_shared>> -> memref<128xf32, #tpu.memory_space<vmem_shared>>
    %dma_wait3A_109 = arith.constant 0 : i32
    %dma_wait3A_110 = tpu.memref_slice %arg11[%dma_wait3A_103, %dma_wait3A_109] : memref<128x128xf32, #tpu.memory_space<vmem>> -> memref<1x128xf32, #tpu.memory_space<vmem>>
    %dma_wait3A_111 = tpu.memref_squeeze %dma_wait3A_110 : memref<1x128xf32, #tpu.memory_space<vmem>> -> memref<128xf32, #tpu.memory_space<vmem>>
    tpu.wait_dma2 semaphore(%arg16 : memref<!tpu.dma_semaphore, #tpu.memory_space<semaphore_mem>>) src(%dma_wait3A_111 : memref<128xf32, #tpu.memory_space<vmem>>) dst(%dma_wait3A_108 : memref<128xf32, #tpu.memory_space<vmem_shared>>)
    %add3A_112 = arith.constant 128 : i32
    %add3A_113 = arith.addi %mul3A_11, %add3A_112 : i32
    %dma_wait3A_114 = arith.constant 0 : i32
    %dma_wait3A_115 = tpu.memref_slice %arg7[%add3A_113, %dma_wait3A_114] : memref<10240x128xf32, #tpu.memory_space<vmem_shared>> -> memref<128x128xf32, #tpu.memory_space<vmem_shared>>
    %dma_wait3A_116 = arith.constant 0 : i32
    %dma_wait3A_117 = tpu.memref_slice %arg7[%add3A_113, %dma_wait3A_116] : memref<10240x128xf32, #tpu.memory_space<vmem_shared>> -> memref<128x128xf32, #tpu.memory_space<vmem_shared>>
    tpu.wait_dma2 semaphore(%arg16 : memref<!tpu.dma_semaphore, #tpu.memory_space<semaphore_mem>>) src(%arg11 : memref<128x128xf32, #tpu.memory_space<vmem>>) dst(%dma_wait3A_117 : memref<128x128xf32, #tpu.memory_space<vmem_shared>>)
    %add3A_118 = arith.constant 128 : i32
    %add3A_119 = arith.addi %mul3A_11, %add3A_118 : i32
    %dma_wait3A_120 = arith.constant 0 : i32
    %dma_wait3A_121 = arith.constant 0 : i32
    %dma_wait3A_122 = tpu.memref_slice %arg11[%dma_wait3A_120, %dma_wait3A_121] : memref<128x128xf32, #tpu.memory_space<vmem>> -> memref<1x128xf32, #tpu.memory_space<vmem>>
    %dma_wait3A_123 = tpu.memref_squeeze %dma_wait3A_122 : memref<1x128xf32, #tpu.memory_space<vmem>> -> memref<128xf32, #tpu.memory_space<vmem>>
    %dma_wait3A_124 = tpu.memref_slice %arg8[%add3A_119] : memref<10240xf32, #tpu.memory_space<vmem_shared>> -> memref<128xf32, #tpu.memory_space<vmem_shared>>
    %dma_wait3A_125 = tpu.memref_slice %arg8[%add3A_119] : memref<10240xf32, #tpu.memory_space<vmem_shared>> -> memref<128xf32, #tpu.memory_space<vmem_shared>>
    %dma_wait3A_126 = arith.constant 0 : i32
    %dma_wait3A_127 = tpu.memref_slice %arg11[%dma_wait3A_120, %dma_wait3A_126] : memref<128x128xf32, #tpu.memory_space<vmem>> -> memref<1x128xf32, #tpu.memory_space<vmem>>
    %dma_wait3A_128 = tpu.memref_squeeze %dma_wait3A_127 : memref<1x128xf32, #tpu.memory_space<vmem>> -> memref<128xf32, #tpu.memory_space<vmem>>
    tpu.wait_dma2 semaphore(%arg16 : memref<!tpu.dma_semaphore, #tpu.memory_space<semaphore_mem>>) src(%dma_wait3A_128 : memref<128xf32, #tpu.memory_space<vmem>>) dst(%dma_wait3A_125 : memref<128xf32, #tpu.memory_space<vmem_shared>>)
    %add3A_129 = arith.constant 256 : i32
    %add3A_130 = arith.addi %mul3A_11, %add3A_129 : i32
    %dma_wait3A_131 = arith.constant 0 : i32
    %dma_wait3A_132 = tpu.memref_slice %arg7[%add3A_130, %dma_wait3A_131] : memref<10240x128xf32, #tpu.memory_space<vmem_shared>> -> memref<128x128xf32, #tpu.memory_space<vmem_shared>>
    %dma_wait3A_133 = arith.constant 0 : i32
    %dma_wait3A_134 = tpu.memref_slice %arg7[%add3A_130, %dma_wait3A_133] : memref<10240x128xf32, #tpu.memory_space<vmem_shared>> -> memref<128x128xf32, #tpu.memory_space<vmem_shared>>
    tpu.wait_dma2 semaphore(%arg16 : memref<!tpu.dma_semaphore, #tpu.memory_space<semaphore_mem>>) src(%arg11 : memref<128x128xf32, #tpu.memory_space<vmem>>) dst(%dma_wait3A_134 : memref<128x128xf32, #tpu.memory_space<vmem_shared>>)
    %add3A_135 = arith.constant 256 : i32
    %add3A_136 = arith.addi %mul3A_11, %add3A_135 : i32
    %dma_wait3A_137 = arith.constant 0 : i32
    %dma_wait3A_138 = arith.constant 0 : i32
    %dma_wait3A_139 = tpu.memref_slice %arg11[%dma_wait3A_137, %dma_wait3A_138] : memref<128x128xf32, #tpu.memory_space<vmem>> -> memref<1x128xf32, #tpu.memory_space<vmem>>
    %dma_wait3A_140 = tpu.memref_squeeze %dma_wait3A_139 : memref<1x128xf32, #tpu.memory_space<vmem>> -> memref<128xf32, #tpu.memory_space<vmem>>
    %dma_wait3A_141 = tpu.memref_slice %arg8[%add3A_136] : memref<10240xf32, #tpu.memory_space<vmem_shared>> -> memref<128xf32, #tpu.memory_space<vmem_shared>>
    %dma_wait3A_142 = tpu.memref_slice %arg8[%add3A_136] : memref<10240xf32, #tpu.memory_space<vmem_shared>> -> memref<128xf32, #tpu.memory_space<vmem_shared>>
    %dma_wait3A_143 = arith.constant 0 : i32
    %dma_wait3A_144 = tpu.memref_slice %arg11[%dma_wait3A_137, %dma_wait3A_143] : memref<128x128xf32, #tpu.memory_space<vmem>> -> memref<1x128xf32, #tpu.memory_space<vmem>>
    %dma_wait3A_145 = tpu.memref_squeeze %dma_wait3A_144 : memref<1x128xf32, #tpu.memory_space<vmem>> -> memref<128xf32, #tpu.memory_space<vmem>>
    tpu.wait_dma2 semaphore(%arg16 : memref<!tpu.dma_semaphore, #tpu.memory_space<semaphore_mem>>) src(%dma_wait3A_145 : memref<128xf32, #tpu.memory_space<vmem>>) dst(%dma_wait3A_142 : memref<128xf32, #tpu.memory_space<vmem_shared>>)
    %add3A_146 = arith.constant 384 : i32
    %add3A_147 = arith.addi %mul3A_11, %add3A_146 : i32
    %dma_wait3A_148 = arith.constant 0 : i32
    %dma_wait3A_149 = tpu.memref_slice %arg7[%add3A_147, %dma_wait3A_148] : memref<10240x128xf32, #tpu.memory_space<vmem_shared>> -> memref<128x128xf32, #tpu.memory_space<vmem_shared>>
    %dma_wait3A_150 = arith.constant 0 : i32
    %dma_wait3A_151 = tpu.memref_slice %arg7[%add3A_147, %dma_wait3A_150] : memref<10240x128xf32, #tpu.memory_space<vmem_shared>> -> memref<128x128xf32, #tpu.memory_space<vmem_shared>>
    tpu.wait_dma2 semaphore(%arg16 : memref<!tpu.dma_semaphore, #tpu.memory_space<semaphore_mem>>) src(%arg11 : memref<128x128xf32, #tpu.memory_space<vmem>>) dst(%dma_wait3A_151 : memref<128x128xf32, #tpu.memory_space<vmem_shared>>)
    %add3A_152 = arith.constant 384 : i32
    %add3A_153 = arith.addi %mul3A_11, %add3A_152 : i32
    %dma_wait3A_154 = arith.constant 0 : i32
    %dma_wait3A_155 = arith.constant 0 : i32
    %dma_wait3A_156 = tpu.memref_slice %arg11[%dma_wait3A_154, %dma_wait3A_155] : memref<128x128xf32, #tpu.memory_space<vmem>> -> memref<1x128xf32, #tpu.memory_space<vmem>>
    %dma_wait3A_157 = tpu.memref_squeeze %dma_wait3A_156 : memref<1x128xf32, #tpu.memory_space<vmem>> -> memref<128xf32, #tpu.memory_space<vmem>>
    %dma_wait3A_158 = tpu.memref_slice %arg8[%add3A_153] : memref<10240xf32, #tpu.memory_space<vmem_shared>> -> memref<128xf32, #tpu.memory_space<vmem_shared>>
    %dma_wait3A_159 = tpu.memref_slice %arg8[%add3A_153] : memref<10240xf32, #tpu.memory_space<vmem_shared>> -> memref<128xf32, #tpu.memory_space<vmem_shared>>
    %dma_wait3A_160 = arith.constant 0 : i32
    %dma_wait3A_161 = tpu.memref_slice %arg11[%dma_wait3A_154, %dma_wait3A_160] : memref<128x128xf32, #tpu.memory_space<vmem>> -> memref<1x128xf32, #tpu.memory_space<vmem>>
    %dma_wait3A_162 = tpu.memref_squeeze %dma_wait3A_161 : memref<1x128xf32, #tpu.memory_space<vmem>> -> memref<128xf32, #tpu.memory_space<vmem>>
    tpu.wait_dma2 semaphore(%arg16 : memref<!tpu.dma_semaphore, #tpu.memory_space<semaphore_mem>>) src(%dma_wait3A_162 : memref<128xf32, #tpu.memory_space<vmem>>) dst(%dma_wait3A_159 : memref<128xf32, #tpu.memory_space<vmem_shared>>)
    %add3A_163 = arith.constant 512 : i32
    %add3A_164 = arith.addi %mul3A_11, %add3A_163 : i32
    %dma_wait3A_165 = arith.constant 0 : i32
    %dma_wait3A_166 = tpu.memref_slice %arg7[%add3A_164, %dma_wait3A_165] : memref<10240x128xf32, #tpu.memory_space<vmem_shared>> -> memref<128x128xf32, #tpu.memory_space<vmem_shared>>
    %dma_wait3A_167 = arith.constant 0 : i32
    %dma_wait3A_168 = tpu.memref_slice %arg7[%add3A_164, %dma_wait3A_167] : memref<10240x128xf32, #tpu.memory_space<vmem_shared>> -> memref<128x128xf32, #tpu.memory_space<vmem_shared>>
    tpu.wait_dma2 semaphore(%arg16 : memref<!tpu.dma_semaphore, #tpu.memory_space<semaphore_mem>>) src(%arg11 : memref<128x128xf32, #tpu.memory_space<vmem>>) dst(%dma_wait3A_168 : memref<128x128xf32, #tpu.memory_space<vmem_shared>>)
    %add3A_169 = arith.constant 512 : i32
    %add3A_170 = arith.addi %mul3A_11, %add3A_169 : i32
    %dma_wait3A_171 = arith.constant 0 : i32
    %dma_wait3A_172 = arith.constant 0 : i32
    %dma_wait3A_173 = tpu.memref_slice %arg11[%dma_wait3A_171, %dma_wait3A_172] : memref<128x128xf32, #tpu.memory_space<vmem>> -> memref<1x128xf32, #tpu.memory_space<vmem>>
    %dma_wait3A_174 = tpu.memref_squeeze %dma_wait3A_173 : memref<1x128xf32, #tpu.memory_space<vmem>> -> memref<128xf32, #tpu.memory_space<vmem>>
    %dma_wait3A_175 = tpu.memref_slice %arg8[%add3A_170] : memref<10240xf32, #tpu.memory_space<vmem_shared>> -> memref<128xf32, #tpu.memory_space<vmem_shared>>
    %dma_wait3A_176 = tpu.memref_slice %arg8[%add3A_170] : memref<10240xf32, #tpu.memory_space<vmem_shared>> -> memref<128xf32, #tpu.memory_space<vmem_shared>>
    %dma_wait3A_177 = arith.constant 0 : i32
    %dma_wait3A_178 = tpu.memref_slice %arg11[%dma_wait3A_171, %dma_wait3A_177] : memref<128x128xf32, #tpu.memory_space<vmem>> -> memref<1x128xf32, #tpu.memory_space<vmem>>
    %dma_wait3A_179 = tpu.memref_squeeze %dma_wait3A_178 : memref<1x128xf32, #tpu.memory_space<vmem>> -> memref<128xf32, #tpu.memory_space<vmem>>
    tpu.wait_dma2 semaphore(%arg16 : memref<!tpu.dma_semaphore, #tpu.memory_space<semaphore_mem>>) src(%dma_wait3A_179 : memref<128xf32, #tpu.memory_space<vmem>>) dst(%dma_wait3A_176 : memref<128xf32, #tpu.memory_space<vmem_shared>>)
    %barrier3A = arith.constant 0 : index
    tpu.barrier barrier_id(%barrier3A)
    %sub3A_180 = arith.constant 0 : i32
    %sub3A_181 = arith.subi %min3A, %sub3A_180 : i32
    %jit3A_182 = arith.constant 0 : i32
    %jit3A_183 = arith.constant 40 : i32
    %max3A_184 = arith.maxsi %jit3A_182, %sub3A_181 : i32
    %min3A_185 = arith.minsi %jit3A_183, %max3A_184 : i32
    %add3A_186 = arith.constant 0 : i32
    %add3A_187 = arith.addi %mul3A_2, %add3A_186 : i32
    %min3A_188 = arith.constant 2456 : i32
    %min3A_189 = arith.minsi %add3A_187, %min3A_188 : i32
    %add3A_190 = arith.constant 0 : i32
    %add3A_191 = arith.addi %mul3A_2, %add3A_190 : i32
    %sub3A_192 = arith.subi %add3A_191, %min3A_189 : i32
    %gt3A = arith.constant 0 : i32
    %gt3A_193 = arith.cmpi sgt, %min3A_185, %gt3A : i32
    %convert_element_type3A = arith.extui %gt3A_193 : i1 to i32
    %cond3A = arith.constant 0 : i32
    %cond3A_194 = arith.cmpi ne, %convert_element_type3A, %cond3A : i32
    scf.if %cond3A_194 {
      %run_scoped3A_354 = arith.constant 1 : i32
      "tpu.region"() ({
        %run_scoped3A_356 = tpu.sem_alloc : memref<!tpu.dma_semaphore, #tpu.memory_space<semaphore_mem>>
        %dma_start3A_357 = arith.constant 0 : i32
        %dma_start3A_358 = tpu.memref_slice %arg4[%run_scoped3A_354, %min3A_189, %dma_start3A_357] : memref<2x2504x128xi32, #tpu.memory_space<hbm>> -> memref<1x48x128xi32, #tpu.memory_space<hbm>>
        %dma_start3A_359 = tpu.memref_squeeze %dma_start3A_358 : memref<1x48x128xi32, #tpu.memory_space<hbm>> -> memref<48x128xi32, #tpu.memory_space<hbm>>
        %dma_start3A_360 = arith.constant 0 : i32
        %dma_start3A_361 = tpu.memref_slice %arg4[%run_scoped3A_354, %min3A_189, %dma_start3A_360] : memref<2x2504x128xi32, #tpu.memory_space<hbm>> -> memref<1x48x128xi32, #tpu.memory_space<hbm>>
        %dma_start3A_362 = tpu.memref_squeeze %dma_start3A_361 : memref<1x48x128xi32, #tpu.memory_space<hbm>> -> memref<48x128xi32, #tpu.memory_space<hbm>>
        tpu.enqueue_dma source(%dma_start3A_362 : memref<48x128xi32, #tpu.memory_space<hbm>>) target(%arg9 : memref<48x128xi32, #tpu.memory_space<vmem>>) target_semaphore(%run_scoped3A_356 : memref<!tpu.dma_semaphore, #tpu.memory_space<semaphore_mem>>)
        %dma_wait3A_363 = arith.constant 0 : i32
        %dma_wait3A_364 = tpu.memref_slice %arg4[%run_scoped3A_354, %min3A_189, %dma_wait3A_363] : memref<2x2504x128xi32, #tpu.memory_space<hbm>> -> memref<1x48x128xi32, #tpu.memory_space<hbm>>
        %dma_wait3A_365 = tpu.memref_squeeze %dma_wait3A_364 : memref<1x48x128xi32, #tpu.memory_space<hbm>> -> memref<48x128xi32, #tpu.memory_space<hbm>>
        %dma_wait3A_366 = arith.constant 0 : i32
        %dma_wait3A_367 = tpu.memref_slice %arg4[%run_scoped3A_354, %min3A_189, %dma_wait3A_366] : memref<2x2504x128xi32, #tpu.memory_space<hbm>> -> memref<1x48x128xi32, #tpu.memory_space<hbm>>
        %dma_wait3A_368 = tpu.memref_squeeze %dma_wait3A_367 : memref<1x48x128xi32, #tpu.memory_space<hbm>> -> memref<48x128xi32, #tpu.memory_space<hbm>>
        tpu.wait_dma2 semaphore(%run_scoped3A_356 : memref<!tpu.dma_semaphore, #tpu.memory_space<semaphore_mem>>) src(%dma_wait3A_368 : memref<48x128xi32, #tpu.memory_space<hbm>>) dst(%arg9 : memref<48x128xi32, #tpu.memory_space<vmem>>)
        tpu.yield
      }) : () -> ()
      %run_scoped3A_355 = arith.constant 0 : i32
      "tpu.region"() ({
        %run_scoped3A_356 = tpu.sem_alloc : memref<!tpu.dma_semaphore, #tpu.memory_space<semaphore_mem>>
        %dma_start3A_357 = arith.constant 0 : i32
        %dma_start3A_358 = tpu.memref_slice %arg4[%run_scoped3A_355, %min3A_189, %dma_start3A_357] : memref<2x2504x128xi32, #tpu.memory_space<hbm>> -> memref<1x48x128xi32, #tpu.memory_space<hbm>>
        %dma_start3A_359 = tpu.memref_squeeze %dma_start3A_358 : memref<1x48x128xi32, #tpu.memory_space<hbm>> -> memref<48x128xi32, #tpu.memory_space<hbm>>
        %dma_start3A_360 = arith.constant 0 : i32
        %dma_start3A_361 = tpu.memref_slice %arg4[%run_scoped3A_355, %min3A_189, %dma_start3A_360] : memref<2x2504x128xi32, #tpu.memory_space<hbm>> -> memref<1x48x128xi32, #tpu.memory_space<hbm>>
        %dma_start3A_362 = tpu.memref_squeeze %dma_start3A_361 : memref<1x48x128xi32, #tpu.memory_space<hbm>> -> memref<48x128xi32, #tpu.memory_space<hbm>>
        tpu.enqueue_dma source(%dma_start3A_362 : memref<48x128xi32, #tpu.memory_space<hbm>>) target(%arg10 : memref<48x128xi32, #tpu.memory_space<vmem>>) target_semaphore(%run_scoped3A_356 : memref<!tpu.dma_semaphore, #tpu.memory_space<semaphore_mem>>)
        %dma_wait3A_363 = arith.constant 0 : i32
        %dma_wait3A_364 = tpu.memref_slice %arg4[%run_scoped3A_355, %min3A_189, %dma_wait3A_363] : memref<2x2504x128xi32, #tpu.memory_space<hbm>> -> memref<1x48x128xi32, #tpu.memory_space<hbm>>
        %dma_wait3A_365 = tpu.memref_squeeze %dma_wait3A_364 : memref<1x48x128xi32, #tpu.memory_space<hbm>> -> memref<48x128xi32, #tpu.memory_space<hbm>>
        %dma_wait3A_366 = arith.constant 0 : i32
        %dma_wait3A_367 = tpu.memref_slice %arg4[%run_scoped3A_355, %min3A_189, %dma_wait3A_366] : memref<2x2504x128xi32, #tpu.memory_space<hbm>> -> memref<1x48x128xi32, #tpu.memory_space<hbm>>
        %dma_wait3A_368 = tpu.memref_squeeze %dma_wait3A_367 : memref<1x48x128xi32, #tpu.memory_space<hbm>> -> memref<48x128xi32, #tpu.memory_space<hbm>>
        tpu.wait_dma2 semaphore(%run_scoped3A_356 : memref<!tpu.dma_semaphore, #tpu.memory_space<semaphore_mem>>) src(%dma_wait3A_368 : memref<48x128xi32, #tpu.memory_space<hbm>>) dst(%arg10 : memref<48x128xi32, #tpu.memory_space<vmem>>)
        tpu.yield
      }) : () -> ()
    } else {
    }
    %lt3A = arith.constant 0 : i32
    %lt3A_195 = arith.cmpi slt, %lt3A, %min3A_185 : i32
    %convert_element_type3A_196 = arith.extui %lt3A_195 : i1 to i32
    %cond3A_197 = arith.constant 0 : i32
    %cond3A_198 = arith.constant 0 : i32
    %cond3A_199 = arith.cmpi ne, %convert_element_type3A_196, %cond3A_198 : i32
    scf.if %cond3A_199 {
      %add3A_354 = arith.addi %sub3A_192, %cond3A_197 : i32
      %dma_start3A_355 = arith.constant 0 : i32
      %dma_start3A_356 = tpu.memref_slice %arg9[%add3A_354, %dma_start3A_355] : memref<48x128xi32, #tpu.memory_space<vmem>> -> memref<1x128xi32, #tpu.memory_space<vmem>>
      %dma_start3A_357 = tpu.memref_squeeze %dma_start3A_356 : memref<1x128xi32, #tpu.memory_space<vmem>> -> memref<128xi32, #tpu.memory_space<vmem>>
      %dma_start3A_358 = arith.constant 0 : i32
      %dma_start3A_359 = arith.constant 0 : i32
      %dma_start3A_360 = tpu.memref_slice %arg2[%dma_start3A_358, %dma_start3A_359] : memref<10000x128xf32, #tpu.memory_space<hbm>> -> memref<10000x128xf32, #tpu.memory_space<hbm>>
      tpu.enqueue_indirect_dma source(%dma_start3A_360 : memref<10000x128xf32, #tpu.memory_space<hbm>>) target(%arg11 : memref<128x128xf32, #tpu.memory_space<vmem>>) offsets(%dma_start3A_357 : memref<128xi32, #tpu.memory_space<vmem>>) semaphore(%arg15 : memref<!tpu.dma_semaphore, #tpu.memory_space<semaphore_mem>>)
      %add3A_361 = arith.addi %sub3A_192, %cond3A_197 : i32
      %dma_start3A_362 = arith.constant 0 : i32
      %dma_start3A_363 = tpu.memref_slice %arg9[%add3A_361, %dma_start3A_362] : memref<48x128xi32, #tpu.memory_space<vmem>> -> memref<1x128xi32, #tpu.memory_space<vmem>>
      %dma_start3A_364 = tpu.memref_squeeze %dma_start3A_363 : memref<1x128xi32, #tpu.memory_space<vmem>> -> memref<128xi32, #tpu.memory_space<vmem>>
      %dma_start3A_365 = arith.constant 0 : i32
      %dma_start3A_366 = tpu.memref_slice %arg3[%dma_start3A_365] : memref<10000xf32, #tpu.memory_space<hbm>> -> memref<10000xf32, #tpu.memory_space<hbm>>
      tpu.enqueue_indirect_dma source(%dma_start3A_366 : memref<10000xf32, #tpu.memory_space<hbm>>) target(%arg13 : memref<128xf32, #tpu.memory_space<vmem>>) offsets(%dma_start3A_364 : memref<128xi32, #tpu.memory_space<vmem>>) semaphore(%arg15 : memref<!tpu.dma_semaphore, #tpu.memory_space<semaphore_mem>>)
    } else {
    }
    %scan3A_200 = arith.constant 0 : i32
    %scan3A_201 = arith.constant 0 : i32
    %scan3A_202 = arith.constant 20 : i32
    %scan3A_203 = arith.addi %scan3A_201, %scan3A_202 : i32
    %scan3A_204 = arith.constant 1 : i32
    scf.for %scan3A_354 = %scan3A_201 to %scan3A_203 step %scan3A_204  : i32 {
      %mul3A_355 = arith.constant 2 : i32
      %mul3A_356 = arith.muli %mul3A_355, %scan3A_354 : i32
      %add3A_357 = arith.constant 1 : i32
      %add3A_358 = arith.addi %mul3A_356, %add3A_357 : i32
      %lt3A_359 = arith.cmpi slt, %add3A_358, %min3A_185 : i32
      %convert_element_type3A_360 = arith.extui %lt3A_359 : i1 to i32
      %cond3A_361 = arith.constant 0 : i32
      %cond3A_362 = arith.cmpi ne, %convert_element_type3A_360, %cond3A_361 : i32
      scf.if %cond3A_362 {
        %add3A_379 = arith.addi %sub3A_192, %add3A_358 : i32
        %dma_start3A_380 = arith.constant 0 : i32
        %dma_start3A_381 = tpu.memref_slice %arg9[%add3A_379, %dma_start3A_380] : memref<48x128xi32, #tpu.memory_space<vmem>> -> memref<1x128xi32, #tpu.memory_space<vmem>>
        %dma_start3A_382 = tpu.memref_squeeze %dma_start3A_381 : memref<1x128xi32, #tpu.memory_space<vmem>> -> memref<128xi32, #tpu.memory_space<vmem>>
        %dma_start3A_383 = arith.constant 0 : i32
        %dma_start3A_384 = arith.constant 0 : i32
        %dma_start3A_385 = tpu.memref_slice %arg2[%dma_start3A_383, %dma_start3A_384] : memref<10000x128xf32, #tpu.memory_space<hbm>> -> memref<10000x128xf32, #tpu.memory_space<hbm>>
        tpu.enqueue_indirect_dma source(%dma_start3A_385 : memref<10000x128xf32, #tpu.memory_space<hbm>>) target(%arg12 : memref<128x128xf32, #tpu.memory_space<vmem>>) offsets(%dma_start3A_382 : memref<128xi32, #tpu.memory_space<vmem>>) semaphore(%arg16 : memref<!tpu.dma_semaphore, #tpu.memory_space<semaphore_mem>>)
        %add3A_386 = arith.addi %sub3A_192, %add3A_358 : i32
        %dma_start3A_387 = arith.constant 0 : i32
        %dma_start3A_388 = tpu.memref_slice %arg9[%add3A_386, %dma_start3A_387] : memref<48x128xi32, #tpu.memory_space<vmem>> -> memref<1x128xi32, #tpu.memory_space<vmem>>
        %dma_start3A_389 = tpu.memref_squeeze %dma_start3A_388 : memref<1x128xi32, #tpu.memory_space<vmem>> -> memref<128xi32, #tpu.memory_space<vmem>>
        %dma_start3A_390 = arith.constant 0 : i32
        %dma_start3A_391 = tpu.memref_slice %arg3[%dma_start3A_390] : memref<10000xf32, #tpu.memory_space<hbm>> -> memref<10000xf32, #tpu.memory_space<hbm>>
        tpu.enqueue_indirect_dma source(%dma_start3A_391 : memref<10000xf32, #tpu.memory_space<hbm>>) target(%arg14 : memref<128xf32, #tpu.memory_space<vmem>>) offsets(%dma_start3A_389 : memref<128xi32, #tpu.memory_space<vmem>>) semaphore(%arg16 : memref<!tpu.dma_semaphore, #tpu.memory_space<semaphore_mem>>)
      } else {
      }
      %lt3A_363 = arith.cmpi slt, %mul3A_356, %min3A_185 : i32
      %convert_element_type3A_364 = arith.extui %lt3A_363 : i1 to i32
      %cond3A_365 = arith.constant 0 : i32
      %cond3A_366 = arith.cmpi ne, %convert_element_type3A_364, %cond3A_365 : i32
      scf.if %cond3A_366 {
        %dma_wait3A_379 = arith.constant 0 : i32
        %dma_wait3A_380 = arith.constant 0 : i32
        %dma_wait3A_381 = tpu.memref_slice %arg2[%dma_wait3A_379, %dma_wait3A_380] : memref<10000x128xf32, #tpu.memory_space<hbm>> -> memref<128x128xf32, #tpu.memory_space<hbm>>
        %dma_wait3A_382 = arith.constant 0 : i32
        %dma_wait3A_383 = arith.constant 0 : i32
        %dma_wait3A_384 = tpu.memref_slice %arg2[%dma_wait3A_382, %dma_wait3A_383] : memref<10000x128xf32, #tpu.memory_space<hbm>> -> memref<128x128xf32, #tpu.memory_space<hbm>>
        tpu.wait_dma2 semaphore(%arg15 : memref<!tpu.dma_semaphore, #tpu.memory_space<semaphore_mem>>) src(%dma_wait3A_384 : memref<128x128xf32, #tpu.memory_space<hbm>>) dst(%arg11 : memref<128x128xf32, #tpu.memory_space<vmem>>)
        %dma_wait3A_385 = arith.constant 0 : i32
        %dma_wait3A_386 = tpu.memref_slice %arg3[%dma_wait3A_385] : memref<10000xf32, #tpu.memory_space<hbm>> -> memref<128xf32, #tpu.memory_space<hbm>>
        %dma_wait3A_387 = arith.constant 0 : i32
        %dma_wait3A_388 = tpu.memref_slice %arg3[%dma_wait3A_387] : memref<10000xf32, #tpu.memory_space<hbm>> -> memref<128xf32, #tpu.memory_space<hbm>>
        tpu.wait_dma2 semaphore(%arg15 : memref<!tpu.dma_semaphore, #tpu.memory_space<semaphore_mem>>) src(%dma_wait3A_388 : memref<128xf32, #tpu.memory_space<hbm>>) dst(%arg13 : memref<128xf32, #tpu.memory_space<vmem>>)
        %add3A_389 = arith.addi %sub3A_192, %mul3A_356 : i32
        "tpu.region"() ({
          %run_scoped3A_391 = tpu.sem_alloc : memref<!tpu.dma_semaphore, #tpu.memory_space<semaphore_mem>>
          %dma_start3A_392 = arith.constant 0 : i32
          %dma_start3A_393 = tpu.memref_slice %arg10[%add3A_389, %dma_start3A_392] : memref<48x128xi32, #tpu.memory_space<vmem>> -> memref<1x128xi32, #tpu.memory_space<vmem>>
          %dma_start3A_394 = tpu.memref_squeeze %dma_start3A_393 : memref<1x128xi32, #tpu.memory_space<vmem>> -> memref<128xi32, #tpu.memory_space<vmem>>
          %dma_start3A_395 = arith.constant 0 : i32
          %dma_start3A_396 = arith.constant 0 : i32
          %dma_start3A_397 = tpu.memref_slice %arg7[%dma_start3A_395, %dma_start3A_396] : memref<10240x128xf32, #tpu.memory_space<vmem_shared>> -> memref<10240x128xf32, #tpu.memory_space<vmem_shared>>
          tpu.enqueue_indirect_dma source(%arg11 : memref<128x128xf32, #tpu.memory_space<vmem>>) target(%dma_start3A_397 : memref<10240x128xf32, #tpu.memory_space<vmem_shared>>) offsets(%dma_start3A_394 : memref<128xi32, #tpu.memory_space<vmem>>) semaphore(%run_scoped3A_391 : memref<!tpu.dma_semaphore, #tpu.memory_space<semaphore_mem>>) {add = true}
          %dma_wait3A_398 = arith.constant 0 : i32
          %dma_wait3A_399 = tpu.memref_slice %arg10[%add3A_389, %dma_wait3A_398] : memref<48x128xi32, #tpu.memory_space<vmem>> -> memref<1x128xi32, #tpu.memory_space<vmem>>
          %dma_wait3A_400 = tpu.memref_squeeze %dma_wait3A_399 : memref<1x128xi32, #tpu.memory_space<vmem>> -> memref<128xi32, #tpu.memory_space<vmem>>
          %dma_wait3A_401 = arith.constant 0 : i32
          %dma_wait3A_402 = arith.constant 0 : i32
          %dma_wait3A_403 = tpu.memref_slice %arg7[%dma_wait3A_401, %dma_wait3A_402] : memref<10240x128xf32, #tpu.memory_space<vmem_shared>> -> memref<10240x128xf32, #tpu.memory_space<vmem_shared>>
          tpu.wait_indirect_dma semaphore(%run_scoped3A_391 : memref<!tpu.dma_semaphore, #tpu.memory_space<semaphore_mem>>) src(%arg11 : memref<128x128xf32, #tpu.memory_space<vmem>>) dst(%dma_wait3A_403 : memref<10240x128xf32, #tpu.memory_space<vmem_shared>>)
          tpu.yield
        }) : () -> ()
        %add3A_390 = arith.addi %sub3A_192, %mul3A_356 : i32
        "tpu.region"() ({
          %run_scoped3A_391 = tpu.sem_alloc : memref<!tpu.dma_semaphore, #tpu.memory_space<semaphore_mem>>
          %dma_start3A_392 = arith.constant 0 : i32
          %dma_start3A_393 = tpu.memref_slice %arg10[%add3A_390, %dma_start3A_392] : memref<48x128xi32, #tpu.memory_space<vmem>> -> memref<1x128xi32, #tpu.memory_space<vmem>>
          %dma_start3A_394 = tpu.memref_squeeze %dma_start3A_393 : memref<1x128xi32, #tpu.memory_space<vmem>> -> memref<128xi32, #tpu.memory_space<vmem>>
          %dma_start3A_395 = arith.constant 0 : i32
          %dma_start3A_396 = tpu.memref_slice %arg8[%dma_start3A_395] : memref<10240xf32, #tpu.memory_space<vmem_shared>> -> memref<10240xf32, #tpu.memory_space<vmem_shared>>
          tpu.enqueue_indirect_dma source(%arg13 : memref<128xf32, #tpu.memory_space<vmem>>) target(%dma_start3A_396 : memref<10240xf32, #tpu.memory_space<vmem_shared>>) offsets(%dma_start3A_394 : memref<128xi32, #tpu.memory_space<vmem>>) semaphore(%run_scoped3A_391 : memref<!tpu.dma_semaphore, #tpu.memory_space<semaphore_mem>>) {add = true}
          %dma_wait3A_397 = arith.constant 0 : i32
          %dma_wait3A_398 = tpu.memref_slice %arg10[%add3A_390, %dma_wait3A_397] : memref<48x128xi32, #tpu.memory_space<vmem>> -> memref<1x128xi32, #tpu.memory_space<vmem>>
          %dma_wait3A_399 = tpu.memref_squeeze %dma_wait3A_398 : memref<1x128xi32, #tpu.memory_space<vmem>> -> memref<128xi32, #tpu.memory_space<vmem>>
          %dma_wait3A_400 = arith.constant 0 : i32
          %dma_wait3A_401 = tpu.memref_slice %arg8[%dma_wait3A_400] : memref<10240xf32, #tpu.memory_space<vmem_shared>> -> memref<10240xf32, #tpu.memory_space<vmem_shared>>
          tpu.wait_indirect_dma semaphore(%run_scoped3A_391 : memref<!tpu.dma_semaphore, #tpu.memory_space<semaphore_mem>>) src(%arg13 : memref<128xf32, #tpu.memory_space<vmem>>) dst(%dma_wait3A_401 : memref<10240xf32, #tpu.memory_space<vmem_shared>>)
          tpu.yield
        }) : () -> ()
      } else {
      }
      %add3A_367 = arith.constant 2 : i32
      %add3A_368 = arith.addi %mul3A_356, %add3A_367 : i32
      %lt3A_369 = arith.cmpi slt, %add3A_368, %min3A_185 : i32
      %convert_element_type3A_370 = arith.extui %lt3A_369 : i1 to i32
      %cond3A_371 = arith.constant 0 : i32
      %cond3A_372 = arith.cmpi ne, %convert_element_type3A_370, %cond3A_371 : i32
      scf.if %cond3A_372 {
        %add3A_379 = arith.addi %sub3A_192, %add3A_368 : i32
        %dma_start3A_380 = arith.constant 0 : i32
        %dma_start3A_381 = tpu.memref_slice %arg9[%add3A_379, %dma_start3A_380] : memref<48x128xi32, #tpu.memory_space<vmem>> -> memref<1x128xi32, #tpu.memory_space<vmem>>
        %dma_start3A_382 = tpu.memref_squeeze %dma_start3A_381 : memref<1x128xi32, #tpu.memory_space<vmem>> -> memref<128xi32, #tpu.memory_space<vmem>>
        %dma_start3A_383 = arith.constant 0 : i32
        %dma_start3A_384 = arith.constant 0 : i32
        %dma_start3A_385 = tpu.memref_slice %arg2[%dma_start3A_383, %dma_start3A_384] : memref<10000x128xf32, #tpu.memory_space<hbm>> -> memref<10000x128xf32, #tpu.memory_space<hbm>>
        tpu.enqueue_indirect_dma source(%dma_start3A_385 : memref<10000x128xf32, #tpu.memory_space<hbm>>) target(%arg11 : memref<128x128xf32, #tpu.memory_space<vmem>>) offsets(%dma_start3A_382 : memref<128xi32, #tpu.memory_space<vmem>>) semaphore(%arg15 : memref<!tpu.dma_semaphore, #tpu.memory_space<semaphore_mem>>)
        %add3A_386 = arith.addi %sub3A_192, %add3A_368 : i32
        %dma_start3A_387 = arith.constant 0 : i32
        %dma_start3A_388 = tpu.memref_slice %arg9[%add3A_386, %dma_start3A_387] : memref<48x128xi32, #tpu.memory_space<vmem>> -> memref<1x128xi32, #tpu.memory_space<vmem>>
        %dma_start3A_389 = tpu.memref_squeeze %dma_start3A_388 : memref<1x128xi32, #tpu.memory_space<vmem>> -> memref<128xi32, #tpu.memory_space<vmem>>
        %dma_start3A_390 = arith.constant 0 : i32
        %dma_start3A_391 = tpu.memref_slice %arg3[%dma_start3A_390] : memref<10000xf32, #tpu.memory_space<hbm>> -> memref<10000xf32, #tpu.memory_space<hbm>>
        tpu.enqueue_indirect_dma source(%dma_start3A_391 : memref<10000xf32, #tpu.memory_space<hbm>>) target(%arg13 : memref<128xf32, #tpu.memory_space<vmem>>) offsets(%dma_start3A_389 : memref<128xi32, #tpu.memory_space<vmem>>) semaphore(%arg15 : memref<!tpu.dma_semaphore, #tpu.memory_space<semaphore_mem>>)
      } else {
      }
      %add3A_373 = arith.constant 1 : i32
      %add3A_374 = arith.addi %mul3A_356, %add3A_373 : i32
      %lt3A_375 = arith.cmpi slt, %add3A_374, %min3A_185 : i32
      %convert_element_type3A_376 = arith.extui %lt3A_375 : i1 to i32
      %cond3A_377 = arith.constant 0 : i32
      %cond3A_378 = arith.cmpi ne, %convert_element_type3A_376, %cond3A_377 : i32
      scf.if %cond3A_378 {
        %dma_wait3A_379 = arith.constant 0 : i32
        %dma_wait3A_380 = arith.constant 0 : i32
        %dma_wait3A_381 = tpu.memref_slice %arg2[%dma_wait3A_379, %dma_wait3A_380] : memref<10000x128xf32, #tpu.memory_space<hbm>> -> memref<128x128xf32, #tpu.memory_space<hbm>>
        %dma_wait3A_382 = arith.constant 0 : i32
        %dma_wait3A_383 = arith.constant 0 : i32
        %dma_wait3A_384 = tpu.memref_slice %arg2[%dma_wait3A_382, %dma_wait3A_383] : memref<10000x128xf32, #tpu.memory_space<hbm>> -> memref<128x128xf32, #tpu.memory_space<hbm>>
        tpu.wait_dma2 semaphore(%arg16 : memref<!tpu.dma_semaphore, #tpu.memory_space<semaphore_mem>>) src(%dma_wait3A_384 : memref<128x128xf32, #tpu.memory_space<hbm>>) dst(%arg12 : memref<128x128xf32, #tpu.memory_space<vmem>>)
        %dma_wait3A_385 = arith.constant 0 : i32
        %dma_wait3A_386 = tpu.memref_slice %arg3[%dma_wait3A_385] : memref<10000xf32, #tpu.memory_space<hbm>> -> memref<128xf32, #tpu.memory_space<hbm>>
        %dma_wait3A_387 = arith.constant 0 : i32
        %dma_wait3A_388 = tpu.memref_slice %arg3[%dma_wait3A_387] : memref<10000xf32, #tpu.memory_space<hbm>> -> memref<128xf32, #tpu.memory_space<hbm>>
        tpu.wait_dma2 semaphore(%arg16 : memref<!tpu.dma_semaphore, #tpu.memory_space<semaphore_mem>>) src(%dma_wait3A_388 : memref<128xf32, #tpu.memory_space<hbm>>) dst(%arg14 : memref<128xf32, #tpu.memory_space<vmem>>)
        %add3A_389 = arith.addi %sub3A_192, %add3A_374 : i32
        "tpu.region"() ({
          %run_scoped3A_391 = tpu.sem_alloc : memref<!tpu.dma_semaphore, #tpu.memory_space<semaphore_mem>>
          %dma_start3A_392 = arith.constant 0 : i32
          %dma_start3A_393 = tpu.memref_slice %arg10[%add3A_389, %dma_start3A_392] : memref<48x128xi32, #tpu.memory_space<vmem>> -> memref<1x128xi32, #tpu.memory_space<vmem>>
          %dma_start3A_394 = tpu.memref_squeeze %dma_start3A_393 : memref<1x128xi32, #tpu.memory_space<vmem>> -> memref<128xi32, #tpu.memory_space<vmem>>
          %dma_start3A_395 = arith.constant 0 : i32
          %dma_start3A_396 = arith.constant 0 : i32
          %dma_start3A_397 = tpu.memref_slice %arg7[%dma_start3A_395, %dma_start3A_396] : memref<10240x128xf32, #tpu.memory_space<vmem_shared>> -> memref<10240x128xf32, #tpu.memory_space<vmem_shared>>
          tpu.enqueue_indirect_dma source(%arg12 : memref<128x128xf32, #tpu.memory_space<vmem>>) target(%dma_start3A_397 : memref<10240x128xf32, #tpu.memory_space<vmem_shared>>) offsets(%dma_start3A_394 : memref<128xi32, #tpu.memory_space<vmem>>) semaphore(%run_scoped3A_391 : memref<!tpu.dma_semaphore, #tpu.memory_space<semaphore_mem>>) {add = true}
          %dma_wait3A_398 = arith.constant 0 : i32
          %dma_wait3A_399 = tpu.memref_slice %arg10[%add3A_389, %dma_wait3A_398] : memref<48x128xi32, #tpu.memory_space<vmem>> -> memref<1x128xi32, #tpu.memory_space<vmem>>
          %dma_wait3A_400 = tpu.memref_squeeze %dma_wait3A_399 : memref<1x128xi32, #tpu.memory_space<vmem>> -> memref<128xi32, #tpu.memory_space<vmem>>
          %dma_wait3A_401 = arith.constant 0 : i32
          %dma_wait3A_402 = arith.constant 0 : i32
          %dma_wait3A_403 = tpu.memref_slice %arg7[%dma_wait3A_401, %dma_wait3A_402] : memref<10240x128xf32, #tpu.memory_space<vmem_shared>> -> memref<10240x128xf32, #tpu.memory_space<vmem_shared>>
          tpu.wait_indirect_dma semaphore(%run_scoped3A_391 : memref<!tpu.dma_semaphore, #tpu.memory_space<semaphore_mem>>) src(%arg12 : memref<128x128xf32, #tpu.memory_space<vmem>>) dst(%dma_wait3A_403 : memref<10240x128xf32, #tpu.memory_space<vmem_shared>>)
          tpu.yield
        }) : () -> ()
        %add3A_390 = arith.addi %sub3A_192, %add3A_374 : i32
        "tpu.region"() ({
          %run_scoped3A_391 = tpu.sem_alloc : memref<!tpu.dma_semaphore, #tpu.memory_space<semaphore_mem>>
          %dma_start3A_392 = arith.constant 0 : i32
          %dma_start3A_393 = tpu.memref_slice %arg10[%add3A_390, %dma_start3A_392] : memref<48x128xi32, #tpu.memory_space<vmem>> -> memref<1x128xi32, #tpu.memory_space<vmem>>
          %dma_start3A_394 = tpu.memref_squeeze %dma_start3A_393 : memref<1x128xi32, #tpu.memory_space<vmem>> -> memref<128xi32, #tpu.memory_space<vmem>>
          %dma_start3A_395 = arith.constant 0 : i32
          %dma_start3A_396 = tpu.memref_slice %arg8[%dma_start3A_395] : memref<10240xf32, #tpu.memory_space<vmem_shared>> -> memref<10240xf32, #tpu.memory_space<vmem_shared>>
          tpu.enqueue_indirect_dma source(%arg14 : memref<128xf32, #tpu.memory_space<vmem>>) target(%dma_start3A_396 : memref<10240xf32, #tpu.memory_space<vmem_shared>>) offsets(%dma_start3A_394 : memref<128xi32, #tpu.memory_space<vmem>>) semaphore(%run_scoped3A_391 : memref<!tpu.dma_semaphore, #tpu.memory_space<semaphore_mem>>) {add = true}
          %dma_wait3A_397 = arith.constant 0 : i32
          %dma_wait3A_398 = tpu.memref_slice %arg10[%add3A_390, %dma_wait3A_397] : memref<48x128xi32, #tpu.memory_space<vmem>> -> memref<1x128xi32, #tpu.memory_space<vmem>>
          %dma_wait3A_399 = tpu.memref_squeeze %dma_wait3A_398 : memref<1x128xi32, #tpu.memory_space<vmem>> -> memref<128xi32, #tpu.memory_space<vmem>>
          %dma_wait3A_400 = arith.constant 0 : i32
          %dma_wait3A_401 = tpu.memref_slice %arg8[%dma_wait3A_400] : memref<10240xf32, #tpu.memory_space<vmem_shared>> -> memref<10240xf32, #tpu.memory_space<vmem_shared>>
          tpu.wait_indirect_dma semaphore(%run_scoped3A_391 : memref<!tpu.dma_semaphore, #tpu.memory_space<semaphore_mem>>) src(%arg14 : memref<128xf32, #tpu.memory_space<vmem>>) dst(%dma_wait3A_401 : memref<10240xf32, #tpu.memory_space<vmem_shared>>)
          tpu.yield
        }) : () -> ()
      } else {
      }
    }
    %scan3A_205 = arith.constant 20 : i32
    %sub3A_206 = arith.constant 40 : i32
    %sub3A_207 = arith.subi %min3A, %sub3A_206 : i32
    %jit3A_208 = arith.constant 0 : i32
    %jit3A_209 = arith.constant 40 : i32
    %max3A_210 = arith.maxsi %jit3A_208, %sub3A_207 : i32
    %min3A_211 = arith.minsi %jit3A_209, %max3A_210 : i32
    %add3A_212 = arith.constant 40 : i32
    %add3A_213 = arith.addi %mul3A_2, %add3A_212 : i32
    %min3A_214 = arith.constant 2456 : i32
    %min3A_215 = arith.minsi %add3A_213, %min3A_214 : i32
    %add3A_216 = arith.constant 40 : i32
    %add3A_217 = arith.addi %mul3A_2, %add3A_216 : i32
    %sub3A_218 = arith.subi %add3A_217, %min3A_215 : i32
    %gt3A_219 = arith.constant 0 : i32
    %gt3A_220 = arith.cmpi sgt, %min3A_211, %gt3A_219 : i32
    %convert_element_type3A_221 = arith.extui %gt3A_220 : i1 to i32
    %cond3A_222 = arith.constant 0 : i32
    %cond3A_223 = arith.cmpi ne, %convert_element_type3A_221, %cond3A_222 : i32
    scf.if %cond3A_223 {
      %run_scoped3A_354 = arith.constant 1 : i32
      "tpu.region"() ({
        %run_scoped3A_356 = tpu.sem_alloc : memref<!tpu.dma_semaphore, #tpu.memory_space<semaphore_mem>>
        %dma_start3A_357 = arith.constant 0 : i32
        %dma_start3A_358 = tpu.memref_slice %arg4[%run_scoped3A_354, %min3A_215, %dma_start3A_357] : memref<2x2504x128xi32, #tpu.memory_space<hbm>> -> memref<1x48x128xi32, #tpu.memory_space<hbm>>
        %dma_start3A_359 = tpu.memref_squeeze %dma_start3A_358 : memref<1x48x128xi32, #tpu.memory_space<hbm>> -> memref<48x128xi32, #tpu.memory_space<hbm>>
        %dma_start3A_360 = arith.constant 0 : i32
        %dma_start3A_361 = tpu.memref_slice %arg4[%run_scoped3A_354, %min3A_215, %dma_start3A_360] : memref<2x2504x128xi32, #tpu.memory_space<hbm>> -> memref<1x48x128xi32, #tpu.memory_space<hbm>>
        %dma_start3A_362 = tpu.memref_squeeze %dma_start3A_361 : memref<1x48x128xi32, #tpu.memory_space<hbm>> -> memref<48x128xi32, #tpu.memory_space<hbm>>
        tpu.enqueue_dma source(%dma_start3A_362 : memref<48x128xi32, #tpu.memory_space<hbm>>) target(%arg9 : memref<48x128xi32, #tpu.memory_space<vmem>>) target_semaphore(%run_scoped3A_356 : memref<!tpu.dma_semaphore, #tpu.memory_space<semaphore_mem>>)
        %dma_wait3A_363 = arith.constant 0 : i32
        %dma_wait3A_364 = tpu.memref_slice %arg4[%run_scoped3A_354, %min3A_215, %dma_wait3A_363] : memref<2x2504x128xi32, #tpu.memory_space<hbm>> -> memref<1x48x128xi32, #tpu.memory_space<hbm>>
        %dma_wait3A_365 = tpu.memref_squeeze %dma_wait3A_364 : memref<1x48x128xi32, #tpu.memory_space<hbm>> -> memref<48x128xi32, #tpu.memory_space<hbm>>
        %dma_wait3A_366 = arith.constant 0 : i32
        %dma_wait3A_367 = tpu.memref_slice %arg4[%run_scoped3A_354, %min3A_215, %dma_wait3A_366] : memref<2x2504x128xi32, #tpu.memory_space<hbm>> -> memref<1x48x128xi32, #tpu.memory_space<hbm>>
        %dma_wait3A_368 = tpu.memref_squeeze %dma_wait3A_367 : memref<1x48x128xi32, #tpu.memory_space<hbm>> -> memref<48x128xi32, #tpu.memory_space<hbm>>
        tpu.wait_dma2 semaphore(%run_scoped3A_356 : memref<!tpu.dma_semaphore, #tpu.memory_space<semaphore_mem>>) src(%dma_wait3A_368 : memref<48x128xi32, #tpu.memory_space<hbm>>) dst(%arg9 : memref<48x128xi32, #tpu.memory_space<vmem>>)
        tpu.yield
      }) : () -> ()
      %run_scoped3A_355 = arith.constant 0 : i32
      "tpu.region"() ({
        %run_scoped3A_356 = tpu.sem_alloc : memref<!tpu.dma_semaphore, #tpu.memory_space<semaphore_mem>>
        %dma_start3A_357 = arith.constant 0 : i32
        %dma_start3A_358 = tpu.memref_slice %arg4[%run_scoped3A_355, %min3A_215, %dma_start3A_357] : memref<2x2504x128xi32, #tpu.memory_space<hbm>> -> memref<1x48x128xi32, #tpu.memory_space<hbm>>
        %dma_start3A_359 = tpu.memref_squeeze %dma_start3A_358 : memref<1x48x128xi32, #tpu.memory_space<hbm>> -> memref<48x128xi32, #tpu.memory_space<hbm>>
        %dma_start3A_360 = arith.constant 0 : i32
        %dma_start3A_361 = tpu.memref_slice %arg4[%run_scoped3A_355, %min3A_215, %dma_start3A_360] : memref<2x2504x128xi32, #tpu.memory_space<hbm>> -> memref<1x48x128xi32, #tpu.memory_space<hbm>>
        %dma_start3A_362 = tpu.memref_squeeze %dma_start3A_361 : memref<1x48x128xi32, #tpu.memory_space<hbm>> -> memref<48x128xi32, #tpu.memory_space<hbm>>
        tpu.enqueue_dma source(%dma_start3A_362 : memref<48x128xi32, #tpu.memory_space<hbm>>) target(%arg10 : memref<48x128xi32, #tpu.memory_space<vmem>>) target_semaphore(%run_scoped3A_356 : memref<!tpu.dma_semaphore, #tpu.memory_space<semaphore_mem>>)
        %dma_wait3A_363 = arith.constant 0 : i32
        %dma_wait3A_364 = tpu.memref_slice %arg4[%run_scoped3A_355, %min3A_215, %dma_wait3A_363] : memref<2x2504x128xi32, #tpu.memory_space<hbm>> -> memref<1x48x128xi32, #tpu.memory_space<hbm>>
        %dma_wait3A_365 = tpu.memref_squeeze %dma_wait3A_364 : memref<1x48x128xi32, #tpu.memory_space<hbm>> -> memref<48x128xi32, #tpu.memory_space<hbm>>
        %dma_wait3A_366 = arith.constant 0 : i32
        %dma_wait3A_367 = tpu.memref_slice %arg4[%run_scoped3A_355, %min3A_215, %dma_wait3A_366] : memref<2x2504x128xi32, #tpu.memory_space<hbm>> -> memref<1x48x128xi32, #tpu.memory_space<hbm>>
        %dma_wait3A_368 = tpu.memref_squeeze %dma_wait3A_367 : memref<1x48x128xi32, #tpu.memory_space<hbm>> -> memref<48x128xi32, #tpu.memory_space<hbm>>
        tpu.wait_dma2 semaphore(%run_scoped3A_356 : memref<!tpu.dma_semaphore, #tpu.memory_space<semaphore_mem>>) src(%dma_wait3A_368 : memref<48x128xi32, #tpu.memory_space<hbm>>) dst(%arg10 : memref<48x128xi32, #tpu.memory_space<vmem>>)
        tpu.yield
      }) : () -> ()
    } else {
    }
    %lt3A_224 = arith.constant 0 : i32
    %lt3A_225 = arith.cmpi slt, %lt3A_224, %min3A_211 : i32
    %convert_element_type3A_226 = arith.extui %lt3A_225 : i1 to i32
    %cond3A_227 = arith.constant 0 : i32
    %cond3A_228 = arith.constant 0 : i32
    %cond3A_229 = arith.cmpi ne, %convert_element_type3A_226, %cond3A_228 : i32
    scf.if %cond3A_229 {
      %add3A_354 = arith.addi %sub3A_218, %cond3A_227 : i32
      %dma_start3A_355 = arith.constant 0 : i32
      %dma_start3A_356 = tpu.memref_slice %arg9[%add3A_354, %dma_start3A_355] : memref<48x128xi32, #tpu.memory_space<vmem>> -> memref<1x128xi32, #tpu.memory_space<vmem>>
      %dma_start3A_357 = tpu.memref_squeeze %dma_start3A_356 : memref<1x128xi32, #tpu.memory_space<vmem>> -> memref<128xi32, #tpu.memory_space<vmem>>
      %dma_start3A_358 = arith.constant 0 : i32
      %dma_start3A_359 = arith.constant 0 : i32
      %dma_start3A_360 = tpu.memref_slice %arg2[%dma_start3A_358, %dma_start3A_359] : memref<10000x128xf32, #tpu.memory_space<hbm>> -> memref<10000x128xf32, #tpu.memory_space<hbm>>
      tpu.enqueue_indirect_dma source(%dma_start3A_360 : memref<10000x128xf32, #tpu.memory_space<hbm>>) target(%arg11 : memref<128x128xf32, #tpu.memory_space<vmem>>) offsets(%dma_start3A_357 : memref<128xi32, #tpu.memory_space<vmem>>) semaphore(%arg15 : memref<!tpu.dma_semaphore, #tpu.memory_space<semaphore_mem>>)
      %add3A_361 = arith.addi %sub3A_218, %cond3A_227 : i32
      %dma_start3A_362 = arith.constant 0 : i32
      %dma_start3A_363 = tpu.memref_slice %arg9[%add3A_361, %dma_start3A_362] : memref<48x128xi32, #tpu.memory_space<vmem>> -> memref<1x128xi32, #tpu.memory_space<vmem>>
      %dma_start3A_364 = tpu.memref_squeeze %dma_start3A_363 : memref<1x128xi32, #tpu.memory_space<vmem>> -> memref<128xi32, #tpu.memory_space<vmem>>
      %dma_start3A_365 = arith.constant 0 : i32
      %dma_start3A_366 = tpu.memref_slice %arg3[%dma_start3A_365] : memref<10000xf32, #tpu.memory_space<hbm>> -> memref<10000xf32, #tpu.memory_space<hbm>>
      tpu.enqueue_indirect_dma source(%dma_start3A_366 : memref<10000xf32, #tpu.memory_space<hbm>>) target(%arg13 : memref<128xf32, #tpu.memory_space<vmem>>) offsets(%dma_start3A_364 : memref<128xi32, #tpu.memory_space<vmem>>) semaphore(%arg15 : memref<!tpu.dma_semaphore, #tpu.memory_space<semaphore_mem>>)
    } else {
    }
    %scan3A_230 = arith.constant 0 : i32
    %scan3A_231 = arith.constant 0 : i32
    %scan3A_232 = arith.constant 20 : i32
    %scan3A_233 = arith.addi %scan3A_231, %scan3A_232 : i32
    %scan3A_234 = arith.constant 1 : i32
    scf.for %scan3A_354 = %scan3A_231 to %scan3A_233 step %scan3A_234  : i32 {
      %mul3A_355 = arith.constant 2 : i32
      %mul3A_356 = arith.muli %mul3A_355, %scan3A_354 : i32
      %add3A_357 = arith.constant 1 : i32
      %add3A_358 = arith.addi %mul3A_356, %add3A_357 : i32
      %lt3A_359 = arith.cmpi slt, %add3A_358, %min3A_211 : i32
      %convert_element_type3A_360 = arith.extui %lt3A_359 : i1 to i32
      %cond3A_361 = arith.constant 0 : i32
      %cond3A_362 = arith.cmpi ne, %convert_element_type3A_360, %cond3A_361 : i32
      scf.if %cond3A_362 {
        %add3A_379 = arith.addi %sub3A_218, %add3A_358 : i32
        %dma_start3A_380 = arith.constant 0 : i32
        %dma_start3A_381 = tpu.memref_slice %arg9[%add3A_379, %dma_start3A_380] : memref<48x128xi32, #tpu.memory_space<vmem>> -> memref<1x128xi32, #tpu.memory_space<vmem>>
        %dma_start3A_382 = tpu.memref_squeeze %dma_start3A_381 : memref<1x128xi32, #tpu.memory_space<vmem>> -> memref<128xi32, #tpu.memory_space<vmem>>
        %dma_start3A_383 = arith.constant 0 : i32
        %dma_start3A_384 = arith.constant 0 : i32
        %dma_start3A_385 = tpu.memref_slice %arg2[%dma_start3A_383, %dma_start3A_384] : memref<10000x128xf32, #tpu.memory_space<hbm>> -> memref<10000x128xf32, #tpu.memory_space<hbm>>
        tpu.enqueue_indirect_dma source(%dma_start3A_385 : memref<10000x128xf32, #tpu.memory_space<hbm>>) target(%arg12 : memref<128x128xf32, #tpu.memory_space<vmem>>) offsets(%dma_start3A_382 : memref<128xi32, #tpu.memory_space<vmem>>) semaphore(%arg16 : memref<!tpu.dma_semaphore, #tpu.memory_space<semaphore_mem>>)
        %add3A_386 = arith.addi %sub3A_218, %add3A_358 : i32
        %dma_start3A_387 = arith.constant 0 : i32
        %dma_start3A_388 = tpu.memref_slice %arg9[%add3A_386, %dma_start3A_387] : memref<48x128xi32, #tpu.memory_space<vmem>> -> memref<1x128xi32, #tpu.memory_space<vmem>>
        %dma_start3A_389 = tpu.memref_squeeze %dma_start3A_388 : memref<1x128xi32, #tpu.memory_space<vmem>> -> memref<128xi32, #tpu.memory_space<vmem>>
        %dma_start3A_390 = arith.constant 0 : i32
        %dma_start3A_391 = tpu.memref_slice %arg3[%dma_start3A_390] : memref<10000xf32, #tpu.memory_space<hbm>> -> memref<10000xf32, #tpu.memory_space<hbm>>
        tpu.enqueue_indirect_dma source(%dma_start3A_391 : memref<10000xf32, #tpu.memory_space<hbm>>) target(%arg14 : memref<128xf32, #tpu.memory_space<vmem>>) offsets(%dma_start3A_389 : memref<128xi32, #tpu.memory_space<vmem>>) semaphore(%arg16 : memref<!tpu.dma_semaphore, #tpu.memory_space<semaphore_mem>>)
      } else {
      }
      %lt3A_363 = arith.cmpi slt, %mul3A_356, %min3A_211 : i32
      %convert_element_type3A_364 = arith.extui %lt3A_363 : i1 to i32
      %cond3A_365 = arith.constant 0 : i32
      %cond3A_366 = arith.cmpi ne, %convert_element_type3A_364, %cond3A_365 : i32
      scf.if %cond3A_366 {
        %dma_wait3A_379 = arith.constant 0 : i32
        %dma_wait3A_380 = arith.constant 0 : i32
        %dma_wait3A_381 = tpu.memref_slice %arg2[%dma_wait3A_379, %dma_wait3A_380] : memref<10000x128xf32, #tpu.memory_space<hbm>> -> memref<128x128xf32, #tpu.memory_space<hbm>>
        %dma_wait3A_382 = arith.constant 0 : i32
        %dma_wait3A_383 = arith.constant 0 : i32
        %dma_wait3A_384 = tpu.memref_slice %arg2[%dma_wait3A_382, %dma_wait3A_383] : memref<10000x128xf32, #tpu.memory_space<hbm>> -> memref<128x128xf32, #tpu.memory_space<hbm>>
        tpu.wait_dma2 semaphore(%arg15 : memref<!tpu.dma_semaphore, #tpu.memory_space<semaphore_mem>>) src(%dma_wait3A_384 : memref<128x128xf32, #tpu.memory_space<hbm>>) dst(%arg11 : memref<128x128xf32, #tpu.memory_space<vmem>>)
        %dma_wait3A_385 = arith.constant 0 : i32
        %dma_wait3A_386 = tpu.memref_slice %arg3[%dma_wait3A_385] : memref<10000xf32, #tpu.memory_space<hbm>> -> memref<128xf32, #tpu.memory_space<hbm>>
        %dma_wait3A_387 = arith.constant 0 : i32
        %dma_wait3A_388 = tpu.memref_slice %arg3[%dma_wait3A_387] : memref<10000xf32, #tpu.memory_space<hbm>> -> memref<128xf32, #tpu.memory_space<hbm>>
        tpu.wait_dma2 semaphore(%arg15 : memref<!tpu.dma_semaphore, #tpu.memory_space<semaphore_mem>>) src(%dma_wait3A_388 : memref<128xf32, #tpu.memory_space<hbm>>) dst(%arg13 : memref<128xf32, #tpu.memory_space<vmem>>)
        %add3A_389 = arith.addi %sub3A_218, %mul3A_356 : i32
        "tpu.region"() ({
          %run_scoped3A_391 = tpu.sem_alloc : memref<!tpu.dma_semaphore, #tpu.memory_space<semaphore_mem>>
          %dma_start3A_392 = arith.constant 0 : i32
          %dma_start3A_393 = tpu.memref_slice %arg10[%add3A_389, %dma_start3A_392] : memref<48x128xi32, #tpu.memory_space<vmem>> -> memref<1x128xi32, #tpu.memory_space<vmem>>
          %dma_start3A_394 = tpu.memref_squeeze %dma_start3A_393 : memref<1x128xi32, #tpu.memory_space<vmem>> -> memref<128xi32, #tpu.memory_space<vmem>>
          %dma_start3A_395 = arith.constant 0 : i32
          %dma_start3A_396 = arith.constant 0 : i32
          %dma_start3A_397 = tpu.memref_slice %arg7[%dma_start3A_395, %dma_start3A_396] : memref<10240x128xf32, #tpu.memory_space<vmem_shared>> -> memref<10240x128xf32, #tpu.memory_space<vmem_shared>>
          tpu.enqueue_indirect_dma source(%arg11 : memref<128x128xf32, #tpu.memory_space<vmem>>) target(%dma_start3A_397 : memref<10240x128xf32, #tpu.memory_space<vmem_shared>>) offsets(%dma_start3A_394 : memref<128xi32, #tpu.memory_space<vmem>>) semaphore(%run_scoped3A_391 : memref<!tpu.dma_semaphore, #tpu.memory_space<semaphore_mem>>) {add = true}
          %dma_wait3A_398 = arith.constant 0 : i32
          %dma_wait3A_399 = tpu.memref_slice %arg10[%add3A_389, %dma_wait3A_398] : memref<48x128xi32, #tpu.memory_space<vmem>> -> memref<1x128xi32, #tpu.memory_space<vmem>>
          %dma_wait3A_400 = tpu.memref_squeeze %dma_wait3A_399 : memref<1x128xi32, #tpu.memory_space<vmem>> -> memref<128xi32, #tpu.memory_space<vmem>>
          %dma_wait3A_401 = arith.constant 0 : i32
          %dma_wait3A_402 = arith.constant 0 : i32
          %dma_wait3A_403 = tpu.memref_slice %arg7[%dma_wait3A_401, %dma_wait3A_402] : memref<10240x128xf32, #tpu.memory_space<vmem_shared>> -> memref<10240x128xf32, #tpu.memory_space<vmem_shared>>
          tpu.wait_indirect_dma semaphore(%run_scoped3A_391 : memref<!tpu.dma_semaphore, #tpu.memory_space<semaphore_mem>>) src(%arg11 : memref<128x128xf32, #tpu.memory_space<vmem>>) dst(%dma_wait3A_403 : memref<10240x128xf32, #tpu.memory_space<vmem_shared>>)
          tpu.yield
        }) : () -> ()
        %add3A_390 = arith.addi %sub3A_218, %mul3A_356 : i32
        "tpu.region"() ({
          %run_scoped3A_391 = tpu.sem_alloc : memref<!tpu.dma_semaphore, #tpu.memory_space<semaphore_mem>>
          %dma_start3A_392 = arith.constant 0 : i32
          %dma_start3A_393 = tpu.memref_slice %arg10[%add3A_390, %dma_start3A_392] : memref<48x128xi32, #tpu.memory_space<vmem>> -> memref<1x128xi32, #tpu.memory_space<vmem>>
          %dma_start3A_394 = tpu.memref_squeeze %dma_start3A_393 : memref<1x128xi32, #tpu.memory_space<vmem>> -> memref<128xi32, #tpu.memory_space<vmem>>
          %dma_start3A_395 = arith.constant 0 : i32
          %dma_start3A_396 = tpu.memref_slice %arg8[%dma_start3A_395] : memref<10240xf32, #tpu.memory_space<vmem_shared>> -> memref<10240xf32, #tpu.memory_space<vmem_shared>>
          tpu.enqueue_indirect_dma source(%arg13 : memref<128xf32, #tpu.memory_space<vmem>>) target(%dma_start3A_396 : memref<10240xf32, #tpu.memory_space<vmem_shared>>) offsets(%dma_start3A_394 : memref<128xi32, #tpu.memory_space<vmem>>) semaphore(%run_scoped3A_391 : memref<!tpu.dma_semaphore, #tpu.memory_space<semaphore_mem>>) {add = true}
          %dma_wait3A_397 = arith.constant 0 : i32
          %dma_wait3A_398 = tpu.memref_slice %arg10[%add3A_390, %dma_wait3A_397] : memref<48x128xi32, #tpu.memory_space<vmem>> -> memref<1x128xi32, #tpu.memory_space<vmem>>
          %dma_wait3A_399 = tpu.memref_squeeze %dma_wait3A_398 : memref<1x128xi32, #tpu.memory_space<vmem>> -> memref<128xi32, #tpu.memory_space<vmem>>
          %dma_wait3A_400 = arith.constant 0 : i32
          %dma_wait3A_401 = tpu.memref_slice %arg8[%dma_wait3A_400] : memref<10240xf32, #tpu.memory_space<vmem_shared>> -> memref<10240xf32, #tpu.memory_space<vmem_shared>>
          tpu.wait_indirect_dma semaphore(%run_scoped3A_391 : memref<!tpu.dma_semaphore, #tpu.memory_space<semaphore_mem>>) src(%arg13 : memref<128xf32, #tpu.memory_space<vmem>>) dst(%dma_wait3A_401 : memref<10240xf32, #tpu.memory_space<vmem_shared>>)
          tpu.yield
        }) : () -> ()
      } else {
      }
      %add3A_367 = arith.constant 2 : i32
      %add3A_368 = arith.addi %mul3A_356, %add3A_367 : i32
      %lt3A_369 = arith.cmpi slt, %add3A_368, %min3A_211 : i32
      %convert_element_type3A_370 = arith.extui %lt3A_369 : i1 to i32
      %cond3A_371 = arith.constant 0 : i32
      %cond3A_372 = arith.cmpi ne, %convert_element_type3A_370, %cond3A_371 : i32
      scf.if %cond3A_372 {
        %add3A_379 = arith.addi %sub3A_218, %add3A_368 : i32
        %dma_start3A_380 = arith.constant 0 : i32
        %dma_start3A_381 = tpu.memref_slice %arg9[%add3A_379, %dma_start3A_380] : memref<48x128xi32, #tpu.memory_space<vmem>> -> memref<1x128xi32, #tpu.memory_space<vmem>>
        %dma_start3A_382 = tpu.memref_squeeze %dma_start3A_381 : memref<1x128xi32, #tpu.memory_space<vmem>> -> memref<128xi32, #tpu.memory_space<vmem>>
        %dma_start3A_383 = arith.constant 0 : i32
        %dma_start3A_384 = arith.constant 0 : i32
        %dma_start3A_385 = tpu.memref_slice %arg2[%dma_start3A_383, %dma_start3A_384] : memref<10000x128xf32, #tpu.memory_space<hbm>> -> memref<10000x128xf32, #tpu.memory_space<hbm>>
        tpu.enqueue_indirect_dma source(%dma_start3A_385 : memref<10000x128xf32, #tpu.memory_space<hbm>>) target(%arg11 : memref<128x128xf32, #tpu.memory_space<vmem>>) offsets(%dma_start3A_382 : memref<128xi32, #tpu.memory_space<vmem>>) semaphore(%arg15 : memref<!tpu.dma_semaphore, #tpu.memory_space<semaphore_mem>>)
        %add3A_386 = arith.addi %sub3A_218, %add3A_368 : i32
        %dma_start3A_387 = arith.constant 0 : i32
        %dma_start3A_388 = tpu.memref_slice %arg9[%add3A_386, %dma_start3A_387] : memref<48x128xi32, #tpu.memory_space<vmem>> -> memref<1x128xi32, #tpu.memory_space<vmem>>
        %dma_start3A_389 = tpu.memref_squeeze %dma_start3A_388 : memref<1x128xi32, #tpu.memory_space<vmem>> -> memref<128xi32, #tpu.memory_space<vmem>>
        %dma_start3A_390 = arith.constant 0 : i32
        %dma_start3A_391 = tpu.memref_slice %arg3[%dma_start3A_390] : memref<10000xf32, #tpu.memory_space<hbm>> -> memref<10000xf32, #tpu.memory_space<hbm>>
        tpu.enqueue_indirect_dma source(%dma_start3A_391 : memref<10000xf32, #tpu.memory_space<hbm>>) target(%arg13 : memref<128xf32, #tpu.memory_space<vmem>>) offsets(%dma_start3A_389 : memref<128xi32, #tpu.memory_space<vmem>>) semaphore(%arg15 : memref<!tpu.dma_semaphore, #tpu.memory_space<semaphore_mem>>)
      } else {
      }
      %add3A_373 = arith.constant 1 : i32
      %add3A_374 = arith.addi %mul3A_356, %add3A_373 : i32
      %lt3A_375 = arith.cmpi slt, %add3A_374, %min3A_211 : i32
      %convert_element_type3A_376 = arith.extui %lt3A_375 : i1 to i32
      %cond3A_377 = arith.constant 0 : i32
      %cond3A_378 = arith.cmpi ne, %convert_element_type3A_376, %cond3A_377 : i32
      scf.if %cond3A_378 {
        %dma_wait3A_379 = arith.constant 0 : i32
        %dma_wait3A_380 = arith.constant 0 : i32
        %dma_wait3A_381 = tpu.memref_slice %arg2[%dma_wait3A_379, %dma_wait3A_380] : memref<10000x128xf32, #tpu.memory_space<hbm>> -> memref<128x128xf32, #tpu.memory_space<hbm>>
        %dma_wait3A_382 = arith.constant 0 : i32
        %dma_wait3A_383 = arith.constant 0 : i32
        %dma_wait3A_384 = tpu.memref_slice %arg2[%dma_wait3A_382, %dma_wait3A_383] : memref<10000x128xf32, #tpu.memory_space<hbm>> -> memref<128x128xf32, #tpu.memory_space<hbm>>
        tpu.wait_dma2 semaphore(%arg16 : memref<!tpu.dma_semaphore, #tpu.memory_space<semaphore_mem>>) src(%dma_wait3A_384 : memref<128x128xf32, #tpu.memory_space<hbm>>) dst(%arg12 : memref<128x128xf32, #tpu.memory_space<vmem>>)
        %dma_wait3A_385 = arith.constant 0 : i32
        %dma_wait3A_386 = tpu.memref_slice %arg3[%dma_wait3A_385] : memref<10000xf32, #tpu.memory_space<hbm>> -> memref<128xf32, #tpu.memory_space<hbm>>
        %dma_wait3A_387 = arith.constant 0 : i32
        %dma_wait3A_388 = tpu.memref_slice %arg3[%dma_wait3A_387] : memref<10000xf32, #tpu.memory_space<hbm>> -> memref<128xf32, #tpu.memory_space<hbm>>
        tpu.wait_dma2 semaphore(%arg16 : memref<!tpu.dma_semaphore, #tpu.memory_space<semaphore_mem>>) src(%dma_wait3A_388 : memref<128xf32, #tpu.memory_space<hbm>>) dst(%arg14 : memref<128xf32, #tpu.memory_space<vmem>>)
        %add3A_389 = arith.addi %sub3A_218, %add3A_374 : i32
        "tpu.region"() ({
          %run_scoped3A_391 = tpu.sem_alloc : memref<!tpu.dma_semaphore, #tpu.memory_space<semaphore_mem>>
          %dma_start3A_392 = arith.constant 0 : i32
          %dma_start3A_393 = tpu.memref_slice %arg10[%add3A_389, %dma_start3A_392] : memref<48x128xi32, #tpu.memory_space<vmem>> -> memref<1x128xi32, #tpu.memory_space<vmem>>
          %dma_start3A_394 = tpu.memref_squeeze %dma_start3A_393 : memref<1x128xi32, #tpu.memory_space<vmem>> -> memref<128xi32, #tpu.memory_space<vmem>>
          %dma_start3A_395 = arith.constant 0 : i32
          %dma_start3A_396 = arith.constant 0 : i32
          %dma_start3A_397 = tpu.memref_slice %arg7[%dma_start3A_395, %dma_start3A_396] : memref<10240x128xf32, #tpu.memory_space<vmem_shared>> -> memref<10240x128xf32, #tpu.memory_space<vmem_shared>>
          tpu.enqueue_indirect_dma source(%arg12 : memref<128x128xf32, #tpu.memory_space<vmem>>) target(%dma_start3A_397 : memref<10240x128xf32, #tpu.memory_space<vmem_shared>>) offsets(%dma_start3A_394 : memref<128xi32, #tpu.memory_space<vmem>>) semaphore(%run_scoped3A_391 : memref<!tpu.dma_semaphore, #tpu.memory_space<semaphore_mem>>) {add = true}
          %dma_wait3A_398 = arith.constant 0 : i32
          %dma_wait3A_399 = tpu.memref_slice %arg10[%add3A_389, %dma_wait3A_398] : memref<48x128xi32, #tpu.memory_space<vmem>> -> memref<1x128xi32, #tpu.memory_space<vmem>>
          %dma_wait3A_400 = tpu.memref_squeeze %dma_wait3A_399 : memref<1x128xi32, #tpu.memory_space<vmem>> -> memref<128xi32, #tpu.memory_space<vmem>>
          %dma_wait3A_401 = arith.constant 0 : i32
          %dma_wait3A_402 = arith.constant 0 : i32
          %dma_wait3A_403 = tpu.memref_slice %arg7[%dma_wait3A_401, %dma_wait3A_402] : memref<10240x128xf32, #tpu.memory_space<vmem_shared>> -> memref<10240x128xf32, #tpu.memory_space<vmem_shared>>
          tpu.wait_indirect_dma semaphore(%run_scoped3A_391 : memref<!tpu.dma_semaphore, #tpu.memory_space<semaphore_mem>>) src(%arg12 : memref<128x128xf32, #tpu.memory_space<vmem>>) dst(%dma_wait3A_403 : memref<10240x128xf32, #tpu.memory_space<vmem_shared>>)
          tpu.yield
        }) : () -> ()
        %add3A_390 = arith.addi %sub3A_218, %add3A_374 : i32
        "tpu.region"() ({
          %run_scoped3A_391 = tpu.sem_alloc : memref<!tpu.dma_semaphore, #tpu.memory_space<semaphore_mem>>
          %dma_start3A_392 = arith.constant 0 : i32
          %dma_start3A_393 = tpu.memref_slice %arg10[%add3A_390, %dma_start3A_392] : memref<48x128xi32, #tpu.memory_space<vmem>> -> memref<1x128xi32, #tpu.memory_space<vmem>>
          %dma_start3A_394 = tpu.memref_squeeze %dma_start3A_393 : memref<1x128xi32, #tpu.memory_space<vmem>> -> memref<128xi32, #tpu.memory_space<vmem>>
          %dma_start3A_395 = arith.constant 0 : i32
          %dma_start3A_396 = tpu.memref_slice %arg8[%dma_start3A_395] : memref<10240xf32, #tpu.memory_space<vmem_shared>> -> memref<10240xf32, #tpu.memory_space<vmem_shared>>
          tpu.enqueue_indirect_dma source(%arg14 : memref<128xf32, #tpu.memory_space<vmem>>) target(%dma_start3A_396 : memref<10240xf32, #tpu.memory_space<vmem_shared>>) offsets(%dma_start3A_394 : memref<128xi32, #tpu.memory_space<vmem>>) semaphore(%run_scoped3A_391 : memref<!tpu.dma_semaphore, #tpu.memory_space<semaphore_mem>>) {add = true}
          %dma_wait3A_397 = arith.constant 0 : i32
          %dma_wait3A_398 = tpu.memref_slice %arg10[%add3A_390, %dma_wait3A_397] : memref<48x128xi32, #tpu.memory_space<vmem>> -> memref<1x128xi32, #tpu.memory_space<vmem>>
          %dma_wait3A_399 = tpu.memref_squeeze %dma_wait3A_398 : memref<1x128xi32, #tpu.memory_space<vmem>> -> memref<128xi32, #tpu.memory_space<vmem>>
          %dma_wait3A_400 = arith.constant 0 : i32
          %dma_wait3A_401 = tpu.memref_slice %arg8[%dma_wait3A_400] : memref<10240xf32, #tpu.memory_space<vmem_shared>> -> memref<10240xf32, #tpu.memory_space<vmem_shared>>
          tpu.wait_indirect_dma semaphore(%run_scoped3A_391 : memref<!tpu.dma_semaphore, #tpu.memory_space<semaphore_mem>>) src(%arg14 : memref<128xf32, #tpu.memory_space<vmem>>) dst(%dma_wait3A_401 : memref<10240xf32, #tpu.memory_space<vmem_shared>>)
          tpu.yield
        }) : () -> ()
      } else {
      }
    }
    %scan3A_235 = arith.constant 20 : i32
    %barrier3A_236 = arith.constant 0 : index
    tpu.barrier barrier_id(%barrier3A_236)
    "tpu.region"() ({
      %run_scoped3A_354 = tpu.sem_alloc : memref<!tpu.dma_semaphore, #tpu.memory_space<semaphore_mem>>
      %dma_start3A_355 = arith.constant 0 : i32
      %dma_start3A_356 = tpu.memref_slice %arg7[%mul3A_11, %dma_start3A_355] : memref<10240x128xf32, #tpu.memory_space<vmem_shared>> -> memref<128x128xf32, #tpu.memory_space<vmem_shared>>
      %dma_start3A_357 = arith.constant 0 : i32
      %dma_start3A_358 = tpu.memref_slice %arg7[%mul3A_11, %dma_start3A_357] : memref<10240x128xf32, #tpu.memory_space<vmem_shared>> -> memref<128x128xf32, #tpu.memory_space<vmem_shared>>
      tpu.enqueue_dma source(%dma_start3A_358 : memref<128x128xf32, #tpu.memory_space<vmem_shared>>) target(%arg11 : memref<128x128xf32, #tpu.memory_space<vmem>>) target_semaphore(%run_scoped3A_354 : memref<!tpu.dma_semaphore, #tpu.memory_space<semaphore_mem>>)
      %dma_wait3A_359 = arith.constant 0 : i32
      %dma_wait3A_360 = tpu.memref_slice %arg7[%mul3A_11, %dma_wait3A_359] : memref<10240x128xf32, #tpu.memory_space<vmem_shared>> -> memref<128x128xf32, #tpu.memory_space<vmem_shared>>
      %dma_wait3A_361 = arith.constant 0 : i32
      %dma_wait3A_362 = tpu.memref_slice %arg7[%mul3A_11, %dma_wait3A_361] : memref<10240x128xf32, #tpu.memory_space<vmem_shared>> -> memref<128x128xf32, #tpu.memory_space<vmem_shared>>
      tpu.wait_dma2 semaphore(%run_scoped3A_354 : memref<!tpu.dma_semaphore, #tpu.memory_space<semaphore_mem>>) src(%dma_wait3A_362 : memref<128x128xf32, #tpu.memory_space<vmem_shared>>) dst(%arg11 : memref<128x128xf32, #tpu.memory_space<vmem>>)
      tpu.yield
    }) : () -> ()
    %add3A_237 = arith.constant 128 : i32
    %add3A_238 = arith.addi %mul3A_11, %add3A_237 : i32
    %dma_start3A_239 = arith.constant 0 : i32
    %dma_start3A_240 = tpu.memref_slice %arg7[%add3A_238, %dma_start3A_239] : memref<10240x128xf32, #tpu.memory_space<vmem_shared>> -> memref<128x128xf32, #tpu.memory_space<vmem_shared>>
    %dma_start3A_241 = arith.constant 0 : i32
    %dma_start3A_242 = tpu.memref_slice %arg7[%add3A_238, %dma_start3A_241] : memref<10240x128xf32, #tpu.memory_space<vmem_shared>> -> memref<128x128xf32, #tpu.memory_space<vmem_shared>>
    tpu.enqueue_dma source(%dma_start3A_242 : memref<128x128xf32, #tpu.memory_space<vmem_shared>>) target(%arg12 : memref<128x128xf32, #tpu.memory_space<vmem>>) target_semaphore(%arg16 : memref<!tpu.dma_semaphore, #tpu.memory_space<semaphore_mem>>)
    %mul3A_243 = arith.constant 10240 : i32
    %mul3A_244 = arith.muli %arg0, %mul3A_243 : i32
    %add3A_245 = arith.addi %mul3A_244, %mul3A_11 : i32
    %add3A_246 = arith.constant 0 : i32
    %add3A_247 = arith.addi %add3A_245, %add3A_246 : i32
    "tpu.region"() ({
      %run_scoped3A_354 = tpu.sem_alloc : memref<!tpu.dma_semaphore, #tpu.memory_space<semaphore_mem>>
      %dma_start3A_355 = arith.constant 0 : i32
      %dma_start3A_356 = tpu.memref_slice %arg5[%add3A_247, %dma_start3A_355] : memref<20480x128xf32, #tpu.memory_space<hbm>> -> memref<128x128xf32, #tpu.memory_space<hbm>>
      %dma_start3A_357 = arith.constant 0 : i32
      %dma_start3A_358 = tpu.memref_slice %arg5[%add3A_247, %dma_start3A_357] : memref<20480x128xf32, #tpu.memory_space<hbm>> -> memref<128x128xf32, #tpu.memory_space<hbm>>
      tpu.enqueue_dma source(%arg11 : memref<128x128xf32, #tpu.memory_space<vmem>>) target(%dma_start3A_358 : memref<128x128xf32, #tpu.memory_space<hbm>>) target_semaphore(%run_scoped3A_354 : memref<!tpu.dma_semaphore, #tpu.memory_space<semaphore_mem>>)
      %dma_wait3A_359 = arith.constant 0 : i32
      %dma_wait3A_360 = tpu.memref_slice %arg5[%add3A_247, %dma_wait3A_359] : memref<20480x128xf32, #tpu.memory_space<hbm>> -> memref<128x128xf32, #tpu.memory_space<hbm>>
      %dma_wait3A_361 = arith.constant 0 : i32
      %dma_wait3A_362 = tpu.memref_slice %arg5[%add3A_247, %dma_wait3A_361] : memref<20480x128xf32, #tpu.memory_space<hbm>> -> memref<128x128xf32, #tpu.memory_space<hbm>>
      tpu.wait_dma2 semaphore(%run_scoped3A_354 : memref<!tpu.dma_semaphore, #tpu.memory_space<semaphore_mem>>) src(%arg11 : memref<128x128xf32, #tpu.memory_space<vmem>>) dst(%dma_wait3A_362 : memref<128x128xf32, #tpu.memory_space<hbm>>)
      tpu.yield
    }) : () -> ()
    %add3A_248 = arith.constant 128 : i32
    %add3A_249 = arith.addi %mul3A_11, %add3A_248 : i32
    %dma_wait3A_250 = arith.constant 0 : i32
    %dma_wait3A_251 = tpu.memref_slice %arg7[%add3A_249, %dma_wait3A_250] : memref<10240x128xf32, #tpu.memory_space<vmem_shared>> -> memref<128x128xf32, #tpu.memory_space<vmem_shared>>
    %dma_wait3A_252 = arith.constant 0 : i32
    %dma_wait3A_253 = tpu.memref_slice %arg7[%add3A_249, %dma_wait3A_252] : memref<10240x128xf32, #tpu.memory_space<vmem_shared>> -> memref<128x128xf32, #tpu.memory_space<vmem_shared>>
    tpu.wait_dma2 semaphore(%arg16 : memref<!tpu.dma_semaphore, #tpu.memory_space<semaphore_mem>>) src(%dma_wait3A_253 : memref<128x128xf32, #tpu.memory_space<vmem_shared>>) dst(%arg12 : memref<128x128xf32, #tpu.memory_space<vmem>>)
    %add3A_254 = arith.constant 256 : i32
    %add3A_255 = arith.addi %mul3A_11, %add3A_254 : i32
    %dma_start3A_256 = arith.constant 0 : i32
    %dma_start3A_257 = tpu.memref_slice %arg7[%add3A_255, %dma_start3A_256] : memref<10240x128xf32, #tpu.memory_space<vmem_shared>> -> memref<128x128xf32, #tpu.memory_space<vmem_shared>>
    %dma_start3A_258 = arith.constant 0 : i32
    %dma_start3A_259 = tpu.memref_slice %arg7[%add3A_255, %dma_start3A_258] : memref<10240x128xf32, #tpu.memory_space<vmem_shared>> -> memref<128x128xf32, #tpu.memory_space<vmem_shared>>
    tpu.enqueue_dma source(%dma_start3A_259 : memref<128x128xf32, #tpu.memory_space<vmem_shared>>) target(%arg11 : memref<128x128xf32, #tpu.memory_space<vmem>>) target_semaphore(%arg16 : memref<!tpu.dma_semaphore, #tpu.memory_space<semaphore_mem>>)
    %mul3A_260 = arith.constant 10240 : i32
    %mul3A_261 = arith.muli %arg0, %mul3A_260 : i32
    %add3A_262 = arith.addi %mul3A_261, %mul3A_11 : i32
    %add3A_263 = arith.constant 128 : i32
    %add3A_264 = arith.addi %add3A_262, %add3A_263 : i32
    "tpu.region"() ({
      %run_scoped3A_354 = tpu.sem_alloc : memref<!tpu.dma_semaphore, #tpu.memory_space<semaphore_mem>>
      %dma_start3A_355 = arith.constant 0 : i32
      %dma_start3A_356 = tpu.memref_slice %arg5[%add3A_264, %dma_start3A_355] : memref<20480x128xf32, #tpu.memory_space<hbm>> -> memref<128x128xf32, #tpu.memory_space<hbm>>
      %dma_start3A_357 = arith.constant 0 : i32
      %dma_start3A_358 = tpu.memref_slice %arg5[%add3A_264, %dma_start3A_357] : memref<20480x128xf32, #tpu.memory_space<hbm>> -> memref<128x128xf32, #tpu.memory_space<hbm>>
      tpu.enqueue_dma source(%arg12 : memref<128x128xf32, #tpu.memory_space<vmem>>) target(%dma_start3A_358 : memref<128x128xf32, #tpu.memory_space<hbm>>) target_semaphore(%run_scoped3A_354 : memref<!tpu.dma_semaphore, #tpu.memory_space<semaphore_mem>>)
      %dma_wait3A_359 = arith.constant 0 : i32
      %dma_wait3A_360 = tpu.memref_slice %arg5[%add3A_264, %dma_wait3A_359] : memref<20480x128xf32, #tpu.memory_space<hbm>> -> memref<128x128xf32, #tpu.memory_space<hbm>>
      %dma_wait3A_361 = arith.constant 0 : i32
      %dma_wait3A_362 = tpu.memref_slice %arg5[%add3A_264, %dma_wait3A_361] : memref<20480x128xf32, #tpu.memory_space<hbm>> -> memref<128x128xf32, #tpu.memory_space<hbm>>
      tpu.wait_dma2 semaphore(%run_scoped3A_354 : memref<!tpu.dma_semaphore, #tpu.memory_space<semaphore_mem>>) src(%arg12 : memref<128x128xf32, #tpu.memory_space<vmem>>) dst(%dma_wait3A_362 : memref<128x128xf32, #tpu.memory_space<hbm>>)
      tpu.yield
    }) : () -> ()
    %add3A_265 = arith.constant 256 : i32
    %add3A_266 = arith.addi %mul3A_11, %add3A_265 : i32
    %dma_wait3A_267 = arith.constant 0 : i32
    %dma_wait3A_268 = tpu.memref_slice %arg7[%add3A_266, %dma_wait3A_267] : memref<10240x128xf32, #tpu.memory_space<vmem_shared>> -> memref<128x128xf32, #tpu.memory_space<vmem_shared>>
    %dma_wait3A_269 = arith.constant 0 : i32
    %dma_wait3A_270 = tpu.memref_slice %arg7[%add3A_266, %dma_wait3A_269] : memref<10240x128xf32, #tpu.memory_space<vmem_shared>> -> memref<128x128xf32, #tpu.memory_space<vmem_shared>>
    tpu.wait_dma2 semaphore(%arg16 : memref<!tpu.dma_semaphore, #tpu.memory_space<semaphore_mem>>) src(%dma_wait3A_270 : memref<128x128xf32, #tpu.memory_space<vmem_shared>>) dst(%arg11 : memref<128x128xf32, #tpu.memory_space<vmem>>)
    %add3A_271 = arith.constant 384 : i32
    %add3A_272 = arith.addi %mul3A_11, %add3A_271 : i32
    %dma_start3A_273 = arith.constant 0 : i32
    %dma_start3A_274 = tpu.memref_slice %arg7[%add3A_272, %dma_start3A_273] : memref<10240x128xf32, #tpu.memory_space<vmem_shared>> -> memref<128x128xf32, #tpu.memory_space<vmem_shared>>
    %dma_start3A_275 = arith.constant 0 : i32
    %dma_start3A_276 = tpu.memref_slice %arg7[%add3A_272, %dma_start3A_275] : memref<10240x128xf32, #tpu.memory_space<vmem_shared>> -> memref<128x128xf32, #tpu.memory_space<vmem_shared>>
    tpu.enqueue_dma source(%dma_start3A_276 : memref<128x128xf32, #tpu.memory_space<vmem_shared>>) target(%arg12 : memref<128x128xf32, #tpu.memory_space<vmem>>) target_semaphore(%arg16 : memref<!tpu.dma_semaphore, #tpu.memory_space<semaphore_mem>>)
    %mul3A_277 = arith.constant 10240 : i32
    %mul3A_278 = arith.muli %arg0, %mul3A_277 : i32
    %add3A_279 = arith.addi %mul3A_278, %mul3A_11 : i32
    %add3A_280 = arith.constant 256 : i32
    %add3A_281 = arith.addi %add3A_279, %add3A_280 : i32
    "tpu.region"() ({
      %run_scoped3A_354 = tpu.sem_alloc : memref<!tpu.dma_semaphore, #tpu.memory_space<semaphore_mem>>
      %dma_start3A_355 = arith.constant 0 : i32
      %dma_start3A_356 = tpu.memref_slice %arg5[%add3A_281, %dma_start3A_355] : memref<20480x128xf32, #tpu.memory_space<hbm>> -> memref<128x128xf32, #tpu.memory_space<hbm>>
      %dma_start3A_357 = arith.constant 0 : i32
      %dma_start3A_358 = tpu.memref_slice %arg5[%add3A_281, %dma_start3A_357] : memref<20480x128xf32, #tpu.memory_space<hbm>> -> memref<128x128xf32, #tpu.memory_space<hbm>>
      tpu.enqueue_dma source(%arg11 : memref<128x128xf32, #tpu.memory_space<vmem>>) target(%dma_start3A_358 : memref<128x128xf32, #tpu.memory_space<hbm>>) target_semaphore(%run_scoped3A_354 : memref<!tpu.dma_semaphore, #tpu.memory_space<semaphore_mem>>)
      %dma_wait3A_359 = arith.constant 0 : i32
      %dma_wait3A_360 = tpu.memref_slice %arg5[%add3A_281, %dma_wait3A_359] : memref<20480x128xf32, #tpu.memory_space<hbm>> -> memref<128x128xf32, #tpu.memory_space<hbm>>
      %dma_wait3A_361 = arith.constant 0 : i32
      %dma_wait3A_362 = tpu.memref_slice %arg5[%add3A_281, %dma_wait3A_361] : memref<20480x128xf32, #tpu.memory_space<hbm>> -> memref<128x128xf32, #tpu.memory_space<hbm>>
      tpu.wait_dma2 semaphore(%run_scoped3A_354 : memref<!tpu.dma_semaphore, #tpu.memory_space<semaphore_mem>>) src(%arg11 : memref<128x128xf32, #tpu.memory_space<vmem>>) dst(%dma_wait3A_362 : memref<128x128xf32, #tpu.memory_space<hbm>>)
      tpu.yield
    }) : () -> ()
    %add3A_282 = arith.constant 384 : i32
    %add3A_283 = arith.addi %mul3A_11, %add3A_282 : i32
    %dma_wait3A_284 = arith.constant 0 : i32
    %dma_wait3A_285 = tpu.memref_slice %arg7[%add3A_283, %dma_wait3A_284] : memref<10240x128xf32, #tpu.memory_space<vmem_shared>> -> memref<128x128xf32, #tpu.memory_space<vmem_shared>>
    %dma_wait3A_286 = arith.constant 0 : i32
    %dma_wait3A_287 = tpu.memref_slice %arg7[%add3A_283, %dma_wait3A_286] : memref<10240x128xf32, #tpu.memory_space<vmem_shared>> -> memref<128x128xf32, #tpu.memory_space<vmem_shared>>
    tpu.wait_dma2 semaphore(%arg16 : memref<!tpu.dma_semaphore, #tpu.memory_space<semaphore_mem>>) src(%dma_wait3A_287 : memref<128x128xf32, #tpu.memory_space<vmem_shared>>) dst(%arg12 : memref<128x128xf32, #tpu.memory_space<vmem>>)
    %add3A_288 = arith.constant 512 : i32
    %add3A_289 = arith.addi %mul3A_11, %add3A_288 : i32
    %dma_start3A_290 = arith.constant 0 : i32
    %dma_start3A_291 = tpu.memref_slice %arg7[%add3A_289, %dma_start3A_290] : memref<10240x128xf32, #tpu.memory_space<vmem_shared>> -> memref<128x128xf32, #tpu.memory_space<vmem_shared>>
    %dma_start3A_292 = arith.constant 0 : i32
    %dma_start3A_293 = tpu.memref_slice %arg7[%add3A_289, %dma_start3A_292] : memref<10240x128xf32, #tpu.memory_space<vmem_shared>> -> memref<128x128xf32, #tpu.memory_space<vmem_shared>>
    tpu.enqueue_dma source(%dma_start3A_293 : memref<128x128xf32, #tpu.memory_space<vmem_shared>>) target(%arg11 : memref<128x128xf32, #tpu.memory_space<vmem>>) target_semaphore(%arg16 : memref<!tpu.dma_semaphore, #tpu.memory_space<semaphore_mem>>)
    %mul3A_294 = arith.constant 10240 : i32
    %mul3A_295 = arith.muli %arg0, %mul3A_294 : i32
    %add3A_296 = arith.addi %mul3A_295, %mul3A_11 : i32
    %add3A_297 = arith.constant 384 : i32
    %add3A_298 = arith.addi %add3A_296, %add3A_297 : i32
    "tpu.region"() ({
      %run_scoped3A_354 = tpu.sem_alloc : memref<!tpu.dma_semaphore, #tpu.memory_space<semaphore_mem>>
      %dma_start3A_355 = arith.constant 0 : i32
      %dma_start3A_356 = tpu.memref_slice %arg5[%add3A_298, %dma_start3A_355] : memref<20480x128xf32, #tpu.memory_space<hbm>> -> memref<128x128xf32, #tpu.memory_space<hbm>>
      %dma_start3A_357 = arith.constant 0 : i32
      %dma_start3A_358 = tpu.memref_slice %arg5[%add3A_298, %dma_start3A_357] : memref<20480x128xf32, #tpu.memory_space<hbm>> -> memref<128x128xf32, #tpu.memory_space<hbm>>
      tpu.enqueue_dma source(%arg12 : memref<128x128xf32, #tpu.memory_space<vmem>>) target(%dma_start3A_358 : memref<128x128xf32, #tpu.memory_space<hbm>>) target_semaphore(%run_scoped3A_354 : memref<!tpu.dma_semaphore, #tpu.memory_space<semaphore_mem>>)
      %dma_wait3A_359 = arith.constant 0 : i32
      %dma_wait3A_360 = tpu.memref_slice %arg5[%add3A_298, %dma_wait3A_359] : memref<20480x128xf32, #tpu.memory_space<hbm>> -> memref<128x128xf32, #tpu.memory_space<hbm>>
      %dma_wait3A_361 = arith.constant 0 : i32
      %dma_wait3A_362 = tpu.memref_slice %arg5[%add3A_298, %dma_wait3A_361] : memref<20480x128xf32, #tpu.memory_space<hbm>> -> memref<128x128xf32, #tpu.memory_space<hbm>>
      tpu.wait_dma2 semaphore(%run_scoped3A_354 : memref<!tpu.dma_semaphore, #tpu.memory_space<semaphore_mem>>) src(%arg12 : memref<128x128xf32, #tpu.memory_space<vmem>>) dst(%dma_wait3A_362 : memref<128x128xf32, #tpu.memory_space<hbm>>)
      tpu.yield
    }) : () -> ()
    %add3A_299 = arith.constant 512 : i32
    %add3A_300 = arith.addi %mul3A_11, %add3A_299 : i32
    %dma_wait3A_301 = arith.constant 0 : i32
    %dma_wait3A_302 = tpu.memref_slice %arg7[%add3A_300, %dma_wait3A_301] : memref<10240x128xf32, #tpu.memory_space<vmem_shared>> -> memref<128x128xf32, #tpu.memory_space<vmem_shared>>
    %dma_wait3A_303 = arith.constant 0 : i32
    %dma_wait3A_304 = tpu.memref_slice %arg7[%add3A_300, %dma_wait3A_303] : memref<10240x128xf32, #tpu.memory_space<vmem_shared>> -> memref<128x128xf32, #tpu.memory_space<vmem_shared>>
    tpu.wait_dma2 semaphore(%arg16 : memref<!tpu.dma_semaphore, #tpu.memory_space<semaphore_mem>>) src(%dma_wait3A_304 : memref<128x128xf32, #tpu.memory_space<vmem_shared>>) dst(%arg11 : memref<128x128xf32, #tpu.memory_space<vmem>>)
    %mul3A_305 = arith.constant 10240 : i32
    %mul3A_306 = arith.muli %arg0, %mul3A_305 : i32
    %add3A_307 = arith.addi %mul3A_306, %mul3A_11 : i32
    %add3A_308 = arith.constant 512 : i32
    %add3A_309 = arith.addi %add3A_307, %add3A_308 : i32
    "tpu.region"() ({
      %run_scoped3A_354 = tpu.sem_alloc : memref<!tpu.dma_semaphore, #tpu.memory_space<semaphore_mem>>
      %dma_start3A_355 = arith.constant 0 : i32
      %dma_start3A_356 = tpu.memref_slice %arg5[%add3A_309, %dma_start3A_355] : memref<20480x128xf32, #tpu.memory_space<hbm>> -> memref<128x128xf32, #tpu.memory_space<hbm>>
      %dma_start3A_357 = arith.constant 0 : i32
      %dma_start3A_358 = tpu.memref_slice %arg5[%add3A_309, %dma_start3A_357] : memref<20480x128xf32, #tpu.memory_space<hbm>> -> memref<128x128xf32, #tpu.memory_space<hbm>>
      tpu.enqueue_dma source(%arg11 : memref<128x128xf32, #tpu.memory_space<vmem>>) target(%dma_start3A_358 : memref<128x128xf32, #tpu.memory_space<hbm>>) target_semaphore(%run_scoped3A_354 : memref<!tpu.dma_semaphore, #tpu.memory_space<semaphore_mem>>)
      %dma_wait3A_359 = arith.constant 0 : i32
      %dma_wait3A_360 = tpu.memref_slice %arg5[%add3A_309, %dma_wait3A_359] : memref<20480x128xf32, #tpu.memory_space<hbm>> -> memref<128x128xf32, #tpu.memory_space<hbm>>
      %dma_wait3A_361 = arith.constant 0 : i32
      %dma_wait3A_362 = tpu.memref_slice %arg5[%add3A_309, %dma_wait3A_361] : memref<20480x128xf32, #tpu.memory_space<hbm>> -> memref<128x128xf32, #tpu.memory_space<hbm>>
      tpu.wait_dma2 semaphore(%run_scoped3A_354 : memref<!tpu.dma_semaphore, #tpu.memory_space<semaphore_mem>>) src(%arg11 : memref<128x128xf32, #tpu.memory_space<vmem>>) dst(%dma_wait3A_362 : memref<128x128xf32, #tpu.memory_space<hbm>>)
      tpu.yield
    }) : () -> ()
    %add3A_310 = arith.constant 0 : i32
    %add3A_311 = arith.addi %mul3A_11, %add3A_310 : i32
    %run_scoped3A = arith.constant 0 : i32
    "tpu.region"() ({
      %run_scoped3A_354 = tpu.sem_alloc : memref<!tpu.dma_semaphore, #tpu.memory_space<semaphore_mem>>
      %dma_start3A_355 = arith.constant 0 : i32
      %dma_start3A_356 = tpu.memref_slice %arg11[%run_scoped3A, %dma_start3A_355] : memref<128x128xf32, #tpu.memory_space<vmem>> -> memref<1x128xf32, #tpu.memory_space<vmem>>
      %dma_start3A_357 = tpu.memref_squeeze %dma_start3A_356 : memref<1x128xf32, #tpu.memory_space<vmem>> -> memref<128xf32, #tpu.memory_space<vmem>>
      %dma_start3A_358 = tpu.memref_slice %arg8[%add3A_311] : memref<10240xf32, #tpu.memory_space<vmem_shared>> -> memref<128xf32, #tpu.memory_space<vmem_shared>>
      %dma_start3A_359 = arith.constant 0 : i32
      %dma_start3A_360 = tpu.memref_slice %arg11[%run_scoped3A, %dma_start3A_359] : memref<128x128xf32, #tpu.memory_space<vmem>> -> memref<1x128xf32, #tpu.memory_space<vmem>>
      %dma_start3A_361 = tpu.memref_squeeze %dma_start3A_360 : memref<1x128xf32, #tpu.memory_space<vmem>> -> memref<128xf32, #tpu.memory_space<vmem>>
      %dma_start3A_362 = tpu.memref_slice %arg8[%add3A_311] : memref<10240xf32, #tpu.memory_space<vmem_shared>> -> memref<128xf32, #tpu.memory_space<vmem_shared>>
      tpu.enqueue_dma source(%dma_start3A_362 : memref<128xf32, #tpu.memory_space<vmem_shared>>) target(%dma_start3A_361 : memref<128xf32, #tpu.memory_space<vmem>>) target_semaphore(%run_scoped3A_354 : memref<!tpu.dma_semaphore, #tpu.memory_space<semaphore_mem>>)
      %dma_wait3A_363 = arith.constant 0 : i32
      %dma_wait3A_364 = tpu.memref_slice %arg11[%run_scoped3A, %dma_wait3A_363] : memref<128x128xf32, #tpu.memory_space<vmem>> -> memref<1x128xf32, #tpu.memory_space<vmem>>
      %dma_wait3A_365 = tpu.memref_squeeze %dma_wait3A_364 : memref<1x128xf32, #tpu.memory_space<vmem>> -> memref<128xf32, #tpu.memory_space<vmem>>
      %dma_wait3A_366 = tpu.memref_slice %arg8[%add3A_311] : memref<10240xf32, #tpu.memory_space<vmem_shared>> -> memref<128xf32, #tpu.memory_space<vmem_shared>>
      %dma_wait3A_367 = arith.constant 0 : i32
      %dma_wait3A_368 = tpu.memref_slice %arg11[%run_scoped3A, %dma_wait3A_367] : memref<128x128xf32, #tpu.memory_space<vmem>> -> memref<1x128xf32, #tpu.memory_space<vmem>>
      %dma_wait3A_369 = tpu.memref_squeeze %dma_wait3A_368 : memref<1x128xf32, #tpu.memory_space<vmem>> -> memref<128xf32, #tpu.memory_space<vmem>>
      %dma_wait3A_370 = tpu.memref_slice %arg8[%add3A_311] : memref<10240xf32, #tpu.memory_space<vmem_shared>> -> memref<128xf32, #tpu.memory_space<vmem_shared>>
      tpu.wait_dma2 semaphore(%run_scoped3A_354 : memref<!tpu.dma_semaphore, #tpu.memory_space<semaphore_mem>>) src(%dma_wait3A_370 : memref<128xf32, #tpu.memory_space<vmem_shared>>) dst(%dma_wait3A_369 : memref<128xf32, #tpu.memory_space<vmem>>)
      tpu.yield
    }) : () -> ()
    %mul3A_312 = arith.constant 10240 : i32
    %mul3A_313 = arith.muli %arg0, %mul3A_312 : i32
    %add3A_314 = arith.addi %mul3A_313, %mul3A_11 : i32
    %add3A_315 = arith.constant 0 : i32
    %add3A_316 = arith.addi %add3A_314, %add3A_315 : i32
    %run_scoped3A_317 = arith.constant 0 : i32
    "tpu.region"() ({
      %run_scoped3A_354 = tpu.sem_alloc : memref<!tpu.dma_semaphore, #tpu.memory_space<semaphore_mem>>
      %dma_start3A_355 = arith.constant 0 : i32
      %dma_start3A_356 = tpu.memref_slice %arg11[%run_scoped3A_317, %dma_start3A_355] : memref<128x128xf32, #tpu.memory_space<vmem>> -> memref<1x128xf32, #tpu.memory_space<vmem>>
      %dma_start3A_357 = tpu.memref_squeeze %dma_start3A_356 : memref<1x128xf32, #tpu.memory_space<vmem>> -> memref<128xf32, #tpu.memory_space<vmem>>
      %dma_start3A_358 = tpu.memref_slice %arg6[%add3A_316] : memref<20480xf32, #tpu.memory_space<hbm>> -> memref<128xf32, #tpu.memory_space<hbm>>
      %dma_start3A_359 = tpu.memref_slice %arg6[%add3A_316] : memref<20480xf32, #tpu.memory_space<hbm>> -> memref<128xf32, #tpu.memory_space<hbm>>
      %dma_start3A_360 = arith.constant 0 : i32
      %dma_start3A_361 = tpu.memref_slice %arg11[%run_scoped3A_317, %dma_start3A_360] : memref<128x128xf32, #tpu.memory_space<vmem>> -> memref<1x128xf32, #tpu.memory_space<vmem>>
      %dma_start3A_362 = tpu.memref_squeeze %dma_start3A_361 : memref<1x128xf32, #tpu.memory_space<vmem>> -> memref<128xf32, #tpu.memory_space<vmem>>
      tpu.enqueue_dma source(%dma_start3A_362 : memref<128xf32, #tpu.memory_space<vmem>>) target(%dma_start3A_359 : memref<128xf32, #tpu.memory_space<hbm>>) target_semaphore(%run_scoped3A_354 : memref<!tpu.dma_semaphore, #tpu.memory_space<semaphore_mem>>)
      %dma_wait3A_363 = arith.constant 0 : i32
      %dma_wait3A_364 = tpu.memref_slice %arg11[%run_scoped3A_317, %dma_wait3A_363] : memref<128x128xf32, #tpu.memory_space<vmem>> -> memref<1x128xf32, #tpu.memory_space<vmem>>
      %dma_wait3A_365 = tpu.memref_squeeze %dma_wait3A_364 : memref<1x128xf32, #tpu.memory_space<vmem>> -> memref<128xf32, #tpu.memory_space<vmem>>
      %dma_wait3A_366 = tpu.memref_slice %arg6[%add3A_316] : memref<20480xf32, #tpu.memory_space<hbm>> -> memref<128xf32, #tpu.memory_space<hbm>>
      %dma_wait3A_367 = tpu.memref_slice %arg6[%add3A_316] : memref<20480xf32, #tpu.memory_space<hbm>> -> memref<128xf32, #tpu.memory_space<hbm>>
      %dma_wait3A_368 = arith.constant 0 : i32
      %dma_wait3A_369 = tpu.memref_slice %arg11[%run_scoped3A_317, %dma_wait3A_368] : memref<128x128xf32, #tpu.memory_space<vmem>> -> memref<1x128xf32, #tpu.memory_space<vmem>>
      %dma_wait3A_370 = tpu.memref_squeeze %dma_wait3A_369 : memref<1x128xf32, #tpu.memory_space<vmem>> -> memref<128xf32, #tpu.memory_space<vmem>>
      tpu.wait_dma2 semaphore(%run_scoped3A_354 : memref<!tpu.dma_semaphore, #tpu.memory_space<semaphore_mem>>) src(%dma_wait3A_370 : memref<128xf32, #tpu.memory_space<vmem>>) dst(%dma_wait3A_367 : memref<128xf32, #tpu.memory_space<hbm>>)
      tpu.yield
    }) : () -> ()
    %add3A_318 = arith.constant 128 : i32
    %add3A_319 = arith.addi %mul3A_11, %add3A_318 : i32
    %run_scoped3A_320 = arith.constant 0 : i32
    "tpu.region"() ({
      %run_scoped3A_354 = tpu.sem_alloc : memref<!tpu.dma_semaphore, #tpu.memory_space<semaphore_mem>>
      %dma_start3A_355 = arith.constant 0 : i32
      %dma_start3A_356 = tpu.memref_slice %arg11[%run_scoped3A_320, %dma_start3A_355] : memref<128x128xf32, #tpu.memory_space<vmem>> -> memref<1x128xf32, #tpu.memory_space<vmem>>
      %dma_start3A_357 = tpu.memref_squeeze %dma_start3A_356 : memref<1x128xf32, #tpu.memory_space<vmem>> -> memref<128xf32, #tpu.memory_space<vmem>>
      %dma_start3A_358 = tpu.memref_slice %arg8[%add3A_319] : memref<10240xf32, #tpu.memory_space<vmem_shared>> -> memref<128xf32, #tpu.memory_space<vmem_shared>>
      %dma_start3A_359 = arith.constant 0 : i32
      %dma_start3A_360 = tpu.memref_slice %arg11[%run_scoped3A_320, %dma_start3A_359] : memref<128x128xf32, #tpu.memory_space<vmem>> -> memref<1x128xf32, #tpu.memory_space<vmem>>
      %dma_start3A_361 = tpu.memref_squeeze %dma_start3A_360 : memref<1x128xf32, #tpu.memory_space<vmem>> -> memref<128xf32, #tpu.memory_space<vmem>>
      %dma_start3A_362 = tpu.memref_slice %arg8[%add3A_319] : memref<10240xf32, #tpu.memory_space<vmem_shared>> -> memref<128xf32, #tpu.memory_space<vmem_shared>>
      tpu.enqueue_dma source(%dma_start3A_362 : memref<128xf32, #tpu.memory_space<vmem_shared>>) target(%dma_start3A_361 : memref<128xf32, #tpu.memory_space<vmem>>) target_semaphore(%run_scoped3A_354 : memref<!tpu.dma_semaphore, #tpu.memory_space<semaphore_mem>>)
      %dma_wait3A_363 = arith.constant 0 : i32
      %dma_wait3A_364 = tpu.memref_slice %arg11[%run_scoped3A_320, %dma_wait3A_363] : memref<128x128xf32, #tpu.memory_space<vmem>> -> memref<1x128xf32, #tpu.memory_space<vmem>>
      %dma_wait3A_365 = tpu.memref_squeeze %dma_wait3A_364 : memref<1x128xf32, #tpu.memory_space<vmem>> -> memref<128xf32, #tpu.memory_space<vmem>>
      %dma_wait3A_366 = tpu.memref_slice %arg8[%add3A_319] : memref<10240xf32, #tpu.memory_space<vmem_shared>> -> memref<128xf32, #tpu.memory_space<vmem_shared>>
      %dma_wait3A_367 = arith.constant 0 : i32
      %dma_wait3A_368 = tpu.memref_slice %arg11[%run_scoped3A_320, %dma_wait3A_367] : memref<128x128xf32, #tpu.memory_space<vmem>> -> memref<1x128xf32, #tpu.memory_space<vmem>>
      %dma_wait3A_369 = tpu.memref_squeeze %dma_wait3A_368 : memref<1x128xf32, #tpu.memory_space<vmem>> -> memref<128xf32, #tpu.memory_space<vmem>>
      %dma_wait3A_370 = tpu.memref_slice %arg8[%add3A_319] : memref<10240xf32, #tpu.memory_space<vmem_shared>> -> memref<128xf32, #tpu.memory_space<vmem_shared>>
      tpu.wait_dma2 semaphore(%run_scoped3A_354 : memref<!tpu.dma_semaphore, #tpu.memory_space<semaphore_mem>>) src(%dma_wait3A_370 : memref<128xf32, #tpu.memory_space<vmem_shared>>) dst(%dma_wait3A_369 : memref<128xf32, #tpu.memory_space<vmem>>)
      tpu.yield
    }) : () -> ()
    %mul3A_321 = arith.constant 10240 : i32
    %mul3A_322 = arith.muli %arg0, %mul3A_321 : i32
    %add3A_323 = arith.addi %mul3A_322, %mul3A_11 : i32
    %add3A_324 = arith.constant 128 : i32
    %add3A_325 = arith.addi %add3A_323, %add3A_324 : i32
    %run_scoped3A_326 = arith.constant 0 : i32
    "tpu.region"() ({
      %run_scoped3A_354 = tpu.sem_alloc : memref<!tpu.dma_semaphore, #tpu.memory_space<semaphore_mem>>
      %dma_start3A_355 = arith.constant 0 : i32
      %dma_start3A_356 = tpu.memref_slice %arg11[%run_scoped3A_326, %dma_start3A_355] : memref<128x128xf32, #tpu.memory_space<vmem>> -> memref<1x128xf32, #tpu.memory_space<vmem>>
      %dma_start3A_357 = tpu.memref_squeeze %dma_start3A_356 : memref<1x128xf32, #tpu.memory_space<vmem>> -> memref<128xf32, #tpu.memory_space<vmem>>
      %dma_start3A_358 = tpu.memref_slice %arg6[%add3A_325] : memref<20480xf32, #tpu.memory_space<hbm>> -> memref<128xf32, #tpu.memory_space<hbm>>
      %dma_start3A_359 = tpu.memref_slice %arg6[%add3A_325] : memref<20480xf32, #tpu.memory_space<hbm>> -> memref<128xf32, #tpu.memory_space<hbm>>
      %dma_start3A_360 = arith.constant 0 : i32
      %dma_start3A_361 = tpu.memref_slice %arg11[%run_scoped3A_326, %dma_start3A_360] : memref<128x128xf32, #tpu.memory_space<vmem>> -> memref<1x128xf32, #tpu.memory_space<vmem>>
      %dma_start3A_362 = tpu.memref_squeeze %dma_start3A_361 : memref<1x128xf32, #tpu.memory_space<vmem>> -> memref<128xf32, #tpu.memory_space<vmem>>
      tpu.enqueue_dma source(%dma_start3A_362 : memref<128xf32, #tpu.memory_space<vmem>>) target(%dma_start3A_359 : memref<128xf32, #tpu.memory_space<hbm>>) target_semaphore(%run_scoped3A_354 : memref<!tpu.dma_semaphore, #tpu.memory_space<semaphore_mem>>)
      %dma_wait3A_363 = arith.constant 0 : i32
      %dma_wait3A_364 = tpu.memref_slice %arg11[%run_scoped3A_326, %dma_wait3A_363] : memref<128x128xf32, #tpu.memory_space<vmem>> -> memref<1x128xf32, #tpu.memory_space<vmem>>
      %dma_wait3A_365 = tpu.memref_squeeze %dma_wait3A_364 : memref<1x128xf32, #tpu.memory_space<vmem>> -> memref<128xf32, #tpu.memory_space<vmem>>
      %dma_wait3A_366 = tpu.memref_slice %arg6[%add3A_325] : memref<20480xf32, #tpu.memory_space<hbm>> -> memref<128xf32, #tpu.memory_space<hbm>>
      %dma_wait3A_367 = tpu.memref_slice %arg6[%add3A_325] : memref<20480xf32, #tpu.memory_space<hbm>> -> memref<128xf32, #tpu.memory_space<hbm>>
      %dma_wait3A_368 = arith.constant 0 : i32
      %dma_wait3A_369 = tpu.memref_slice %arg11[%run_scoped3A_326, %dma_wait3A_368] : memref<128x128xf32, #tpu.memory_space<vmem>> -> memref<1x128xf32, #tpu.memory_space<vmem>>
      %dma_wait3A_370 = tpu.memref_squeeze %dma_wait3A_369 : memref<1x128xf32, #tpu.memory_space<vmem>> -> memref<128xf32, #tpu.memory_space<vmem>>
      tpu.wait_dma2 semaphore(%run_scoped3A_354 : memref<!tpu.dma_semaphore, #tpu.memory_space<semaphore_mem>>) src(%dma_wait3A_370 : memref<128xf32, #tpu.memory_space<vmem>>) dst(%dma_wait3A_367 : memref<128xf32, #tpu.memory_space<hbm>>)
      tpu.yield
    }) : () -> ()
    %add3A_327 = arith.constant 256 : i32
    %add3A_328 = arith.addi %mul3A_11, %add3A_327 : i32
    %run_scoped3A_329 = arith.constant 0 : i32
    "tpu.region"() ({
      %run_scoped3A_354 = tpu.sem_alloc : memref<!tpu.dma_semaphore, #tpu.memory_space<semaphore_mem>>
      %dma_start3A_355 = arith.constant 0 : i32
      %dma_start3A_356 = tpu.memref_slice %arg11[%run_scoped3A_329, %dma_start3A_355] : memref<128x128xf32, #tpu.memory_space<vmem>> -> memref<1x128xf32, #tpu.memory_space<vmem>>
      %dma_start3A_357 = tpu.memref_squeeze %dma_start3A_356 : memref<1x128xf32, #tpu.memory_space<vmem>> -> memref<128xf32, #tpu.memory_space<vmem>>
      %dma_start3A_358 = tpu.memref_slice %arg8[%add3A_328] : memref<10240xf32, #tpu.memory_space<vmem_shared>> -> memref<128xf32, #tpu.memory_space<vmem_shared>>
      %dma_start3A_359 = arith.constant 0 : i32
      %dma_start3A_360 = tpu.memref_slice %arg11[%run_scoped3A_329, %dma_start3A_359] : memref<128x128xf32, #tpu.memory_space<vmem>> -> memref<1x128xf32, #tpu.memory_space<vmem>>
      %dma_start3A_361 = tpu.memref_squeeze %dma_start3A_360 : memref<1x128xf32, #tpu.memory_space<vmem>> -> memref<128xf32, #tpu.memory_space<vmem>>
      %dma_start3A_362 = tpu.memref_slice %arg8[%add3A_328] : memref<10240xf32, #tpu.memory_space<vmem_shared>> -> memref<128xf32, #tpu.memory_space<vmem_shared>>
      tpu.enqueue_dma source(%dma_start3A_362 : memref<128xf32, #tpu.memory_space<vmem_shared>>) target(%dma_start3A_361 : memref<128xf32, #tpu.memory_space<vmem>>) target_semaphore(%run_scoped3A_354 : memref<!tpu.dma_semaphore, #tpu.memory_space<semaphore_mem>>)
      %dma_wait3A_363 = arith.constant 0 : i32
      %dma_wait3A_364 = tpu.memref_slice %arg11[%run_scoped3A_329, %dma_wait3A_363] : memref<128x128xf32, #tpu.memory_space<vmem>> -> memref<1x128xf32, #tpu.memory_space<vmem>>
      %dma_wait3A_365 = tpu.memref_squeeze %dma_wait3A_364 : memref<1x128xf32, #tpu.memory_space<vmem>> -> memref<128xf32, #tpu.memory_space<vmem>>
      %dma_wait3A_366 = tpu.memref_slice %arg8[%add3A_328] : memref<10240xf32, #tpu.memory_space<vmem_shared>> -> memref<128xf32, #tpu.memory_space<vmem_shared>>
      %dma_wait3A_367 = arith.constant 0 : i32
      %dma_wait3A_368 = tpu.memref_slice %arg11[%run_scoped3A_329, %dma_wait3A_367] : memref<128x128xf32, #tpu.memory_space<vmem>> -> memref<1x128xf32, #tpu.memory_space<vmem>>
      %dma_wait3A_369 = tpu.memref_squeeze %dma_wait3A_368 : memref<1x128xf32, #tpu.memory_space<vmem>> -> memref<128xf32, #tpu.memory_space<vmem>>
      %dma_wait3A_370 = tpu.memref_slice %arg8[%add3A_328] : memref<10240xf32, #tpu.memory_space<vmem_shared>> -> memref<128xf32, #tpu.memory_space<vmem_shared>>
      tpu.wait_dma2 semaphore(%run_scoped3A_354 : memref<!tpu.dma_semaphore, #tpu.memory_space<semaphore_mem>>) src(%dma_wait3A_370 : memref<128xf32, #tpu.memory_space<vmem_shared>>) dst(%dma_wait3A_369 : memref<128xf32, #tpu.memory_space<vmem>>)
      tpu.yield
    }) : () -> ()
    %mul3A_330 = arith.constant 10240 : i32
    %mul3A_331 = arith.muli %arg0, %mul3A_330 : i32
    %add3A_332 = arith.addi %mul3A_331, %mul3A_11 : i32
    %add3A_333 = arith.constant 256 : i32
    %add3A_334 = arith.addi %add3A_332, %add3A_333 : i32
    %run_scoped3A_335 = arith.constant 0 : i32
    "tpu.region"() ({
      %run_scoped3A_354 = tpu.sem_alloc : memref<!tpu.dma_semaphore, #tpu.memory_space<semaphore_mem>>
      %dma_start3A_355 = arith.constant 0 : i32
      %dma_start3A_356 = tpu.memref_slice %arg11[%run_scoped3A_335, %dma_start3A_355] : memref<128x128xf32, #tpu.memory_space<vmem>> -> memref<1x128xf32, #tpu.memory_space<vmem>>
      %dma_start3A_357 = tpu.memref_squeeze %dma_start3A_356 : memref<1x128xf32, #tpu.memory_space<vmem>> -> memref<128xf32, #tpu.memory_space<vmem>>
      %dma_start3A_358 = tpu.memref_slice %arg6[%add3A_334] : memref<20480xf32, #tpu.memory_space<hbm>> -> memref<128xf32, #tpu.memory_space<hbm>>
      %dma_start3A_359 = tpu.memref_slice %arg6[%add3A_334] : memref<20480xf32, #tpu.memory_space<hbm>> -> memref<128xf32, #tpu.memory_space<hbm>>
      %dma_start3A_360 = arith.constant 0 : i32
      %dma_start3A_361 = tpu.memref_slice %arg11[%run_scoped3A_335, %dma_start3A_360] : memref<128x128xf32, #tpu.memory_space<vmem>> -> memref<1x128xf32, #tpu.memory_space<vmem>>
      %dma_start3A_362 = tpu.memref_squeeze %dma_start3A_361 : memref<1x128xf32, #tpu.memory_space<vmem>> -> memref<128xf32, #tpu.memory_space<vmem>>
      tpu.enqueue_dma source(%dma_start3A_362 : memref<128xf32, #tpu.memory_space<vmem>>) target(%dma_start3A_359 : memref<128xf32, #tpu.memory_space<hbm>>) target_semaphore(%run_scoped3A_354 : memref<!tpu.dma_semaphore, #tpu.memory_space<semaphore_mem>>)
      %dma_wait3A_363 = arith.constant 0 : i32
      %dma_wait3A_364 = tpu.memref_slice %arg11[%run_scoped3A_335, %dma_wait3A_363] : memref<128x128xf32, #tpu.memory_space<vmem>> -> memref<1x128xf32, #tpu.memory_space<vmem>>
      %dma_wait3A_365 = tpu.memref_squeeze %dma_wait3A_364 : memref<1x128xf32, #tpu.memory_space<vmem>> -> memref<128xf32, #tpu.memory_space<vmem>>
      %dma_wait3A_366 = tpu.memref_slice %arg6[%add3A_334] : memref<20480xf32, #tpu.memory_space<hbm>> -> memref<128xf32, #tpu.memory_space<hbm>>
      %dma_wait3A_367 = tpu.memref_slice %arg6[%add3A_334] : memref<20480xf32, #tpu.memory_space<hbm>> -> memref<128xf32, #tpu.memory_space<hbm>>
      %dma_wait3A_368 = arith.constant 0 : i32
      %dma_wait3A_369 = tpu.memref_slice %arg11[%run_scoped3A_335, %dma_wait3A_368] : memref<128x128xf32, #tpu.memory_space<vmem>> -> memref<1x128xf32, #tpu.memory_space<vmem>>
      %dma_wait3A_370 = tpu.memref_squeeze %dma_wait3A_369 : memref<1x128xf32, #tpu.memory_space<vmem>> -> memref<128xf32, #tpu.memory_space<vmem>>
      tpu.wait_dma2 semaphore(%run_scoped3A_354 : memref<!tpu.dma_semaphore, #tpu.memory_space<semaphore_mem>>) src(%dma_wait3A_370 : memref<128xf32, #tpu.memory_space<vmem>>) dst(%dma_wait3A_367 : memref<128xf32, #tpu.memory_space<hbm>>)
      tpu.yield
    }) : () -> ()
    %add3A_336 = arith.constant 384 : i32
    %add3A_337 = arith.addi %mul3A_11, %add3A_336 : i32
    %run_scoped3A_338 = arith.constant 0 : i32
    "tpu.region"() ({
      %run_scoped3A_354 = tpu.sem_alloc : memref<!tpu.dma_semaphore, #tpu.memory_space<semaphore_mem>>
      %dma_start3A_355 = arith.constant 0 : i32
      %dma_start3A_356 = tpu.memref_slice %arg11[%run_scoped3A_338, %dma_start3A_355] : memref<128x128xf32, #tpu.memory_space<vmem>> -> memref<1x128xf32, #tpu.memory_space<vmem>>
      %dma_start3A_357 = tpu.memref_squeeze %dma_start3A_356 : memref<1x128xf32, #tpu.memory_space<vmem>> -> memref<128xf32, #tpu.memory_space<vmem>>
      %dma_start3A_358 = tpu.memref_slice %arg8[%add3A_337] : memref<10240xf32, #tpu.memory_space<vmem_shared>> -> memref<128xf32, #tpu.memory_space<vmem_shared>>
      %dma_start3A_359 = arith.constant 0 : i32
      %dma_start3A_360 = tpu.memref_slice %arg11[%run_scoped3A_338, %dma_start3A_359] : memref<128x128xf32, #tpu.memory_space<vmem>> -> memref<1x128xf32, #tpu.memory_space<vmem>>
      %dma_start3A_361 = tpu.memref_squeeze %dma_start3A_360 : memref<1x128xf32, #tpu.memory_space<vmem>> -> memref<128xf32, #tpu.memory_space<vmem>>
      %dma_start3A_362 = tpu.memref_slice %arg8[%add3A_337] : memref<10240xf32, #tpu.memory_space<vmem_shared>> -> memref<128xf32, #tpu.memory_space<vmem_shared>>
      tpu.enqueue_dma source(%dma_start3A_362 : memref<128xf32, #tpu.memory_space<vmem_shared>>) target(%dma_start3A_361 : memref<128xf32, #tpu.memory_space<vmem>>) target_semaphore(%run_scoped3A_354 : memref<!tpu.dma_semaphore, #tpu.memory_space<semaphore_mem>>)
      %dma_wait3A_363 = arith.constant 0 : i32
      %dma_wait3A_364 = tpu.memref_slice %arg11[%run_scoped3A_338, %dma_wait3A_363] : memref<128x128xf32, #tpu.memory_space<vmem>> -> memref<1x128xf32, #tpu.memory_space<vmem>>
      %dma_wait3A_365 = tpu.memref_squeeze %dma_wait3A_364 : memref<1x128xf32, #tpu.memory_space<vmem>> -> memref<128xf32, #tpu.memory_space<vmem>>
      %dma_wait3A_366 = tpu.memref_slice %arg8[%add3A_337] : memref<10240xf32, #tpu.memory_space<vmem_shared>> -> memref<128xf32, #tpu.memory_space<vmem_shared>>
      %dma_wait3A_367 = arith.constant 0 : i32
      %dma_wait3A_368 = tpu.memref_slice %arg11[%run_scoped3A_338, %dma_wait3A_367] : memref<128x128xf32, #tpu.memory_space<vmem>> -> memref<1x128xf32, #tpu.memory_space<vmem>>
      %dma_wait3A_369 = tpu.memref_squeeze %dma_wait3A_368 : memref<1x128xf32, #tpu.memory_space<vmem>> -> memref<128xf32, #tpu.memory_space<vmem>>
      %dma_wait3A_370 = tpu.memref_slice %arg8[%add3A_337] : memref<10240xf32, #tpu.memory_space<vmem_shared>> -> memref<128xf32, #tpu.memory_space<vmem_shared>>
      tpu.wait_dma2 semaphore(%run_scoped3A_354 : memref<!tpu.dma_semaphore, #tpu.memory_space<semaphore_mem>>) src(%dma_wait3A_370 : memref<128xf32, #tpu.memory_space<vmem_shared>>) dst(%dma_wait3A_369 : memref<128xf32, #tpu.memory_space<vmem>>)
      tpu.yield
    }) : () -> ()
    %mul3A_339 = arith.constant 10240 : i32
    %mul3A_340 = arith.muli %arg0, %mul3A_339 : i32
    %add3A_341 = arith.addi %mul3A_340, %mul3A_11 : i32
    %add3A_342 = arith.constant 384 : i32
    %add3A_343 = arith.addi %add3A_341, %add3A_342 : i32
    %run_scoped3A_344 = arith.constant 0 : i32
    "tpu.region"() ({
      %run_scoped3A_354 = tpu.sem_alloc : memref<!tpu.dma_semaphore, #tpu.memory_space<semaphore_mem>>
      %dma_start3A_355 = arith.constant 0 : i32
      %dma_start3A_356 = tpu.memref_slice %arg11[%run_scoped3A_344, %dma_start3A_355] : memref<128x128xf32, #tpu.memory_space<vmem>> -> memref<1x128xf32, #tpu.memory_space<vmem>>
      %dma_start3A_357 = tpu.memref_squeeze %dma_start3A_356 : memref<1x128xf32, #tpu.memory_space<vmem>> -> memref<128xf32, #tpu.memory_space<vmem>>
      %dma_start3A_358 = tpu.memref_slice %arg6[%add3A_343] : memref<20480xf32, #tpu.memory_space<hbm>> -> memref<128xf32, #tpu.memory_space<hbm>>
      %dma_start3A_359 = tpu.memref_slice %arg6[%add3A_343] : memref<20480xf32, #tpu.memory_space<hbm>> -> memref<128xf32, #tpu.memory_space<hbm>>
      %dma_start3A_360 = arith.constant 0 : i32
      %dma_start3A_361 = tpu.memref_slice %arg11[%run_scoped3A_344, %dma_start3A_360] : memref<128x128xf32, #tpu.memory_space<vmem>> -> memref<1x128xf32, #tpu.memory_space<vmem>>
      %dma_start3A_362 = tpu.memref_squeeze %dma_start3A_361 : memref<1x128xf32, #tpu.memory_space<vmem>> -> memref<128xf32, #tpu.memory_space<vmem>>
      tpu.enqueue_dma source(%dma_start3A_362 : memref<128xf32, #tpu.memory_space<vmem>>) target(%dma_start3A_359 : memref<128xf32, #tpu.memory_space<hbm>>) target_semaphore(%run_scoped3A_354 : memref<!tpu.dma_semaphore, #tpu.memory_space<semaphore_mem>>)
      %dma_wait3A_363 = arith.constant 0 : i32
      %dma_wait3A_364 = tpu.memref_slice %arg11[%run_scoped3A_344, %dma_wait3A_363] : memref<128x128xf32, #tpu.memory_space<vmem>> -> memref<1x128xf32, #tpu.memory_space<vmem>>
      %dma_wait3A_365 = tpu.memref_squeeze %dma_wait3A_364 : memref<1x128xf32, #tpu.memory_space<vmem>> -> memref<128xf32, #tpu.memory_space<vmem>>
      %dma_wait3A_366 = tpu.memref_slice %arg6[%add3A_343] : memref<20480xf32, #tpu.memory_space<hbm>> -> memref<128xf32, #tpu.memory_space<hbm>>
      %dma_wait3A_367 = tpu.memref_slice %arg6[%add3A_343] : memref<20480xf32, #tpu.memory_space<hbm>> -> memref<128xf32, #tpu.memory_space<hbm>>
      %dma_wait3A_368 = arith.constant 0 : i32
      %dma_wait3A_369 = tpu.memref_slice %arg11[%run_scoped3A_344, %dma_wait3A_368] : memref<128x128xf32, #tpu.memory_space<vmem>> -> memref<1x128xf32, #tpu.memory_space<vmem>>
      %dma_wait3A_370 = tpu.memref_squeeze %dma_wait3A_369 : memref<1x128xf32, #tpu.memory_space<vmem>> -> memref<128xf32, #tpu.memory_space<vmem>>
      tpu.wait_dma2 semaphore(%run_scoped3A_354 : memref<!tpu.dma_semaphore, #tpu.memory_space<semaphore_mem>>) src(%dma_wait3A_370 : memref<128xf32, #tpu.memory_space<vmem>>) dst(%dma_wait3A_367 : memref<128xf32, #tpu.memory_space<hbm>>)
      tpu.yield
    }) : () -> ()
    %add3A_345 = arith.constant 512 : i32
    %add3A_346 = arith.addi %mul3A_11, %add3A_345 : i32
    %run_scoped3A_347 = arith.constant 0 : i32
    "tpu.region"() ({
      %run_scoped3A_354 = tpu.sem_alloc : memref<!tpu.dma_semaphore, #tpu.memory_space<semaphore_mem>>
      %dma_start3A_355 = arith.constant 0 : i32
      %dma_start3A_356 = tpu.memref_slice %arg11[%run_scoped3A_347, %dma_start3A_355] : memref<128x128xf32, #tpu.memory_space<vmem>> -> memref<1x128xf32, #tpu.memory_space<vmem>>
      %dma_start3A_357 = tpu.memref_squeeze %dma_start3A_356 : memref<1x128xf32, #tpu.memory_space<vmem>> -> memref<128xf32, #tpu.memory_space<vmem>>
      %dma_start3A_358 = tpu.memref_slice %arg8[%add3A_346] : memref<10240xf32, #tpu.memory_space<vmem_shared>> -> memref<128xf32, #tpu.memory_space<vmem_shared>>
      %dma_start3A_359 = arith.constant 0 : i32
      %dma_start3A_360 = tpu.memref_slice %arg11[%run_scoped3A_347, %dma_start3A_359] : memref<128x128xf32, #tpu.memory_space<vmem>> -> memref<1x128xf32, #tpu.memory_space<vmem>>
      %dma_start3A_361 = tpu.memref_squeeze %dma_start3A_360 : memref<1x128xf32, #tpu.memory_space<vmem>> -> memref<128xf32, #tpu.memory_space<vmem>>
      %dma_start3A_362 = tpu.memref_slice %arg8[%add3A_346] : memref<10240xf32, #tpu.memory_space<vmem_shared>> -> memref<128xf32, #tpu.memory_space<vmem_shared>>
      tpu.enqueue_dma source(%dma_start3A_362 : memref<128xf32, #tpu.memory_space<vmem_shared>>) target(%dma_start3A_361 : memref<128xf32, #tpu.memory_space<vmem>>) target_semaphore(%run_scoped3A_354 : memref<!tpu.dma_semaphore, #tpu.memory_space<semaphore_mem>>)
      %dma_wait3A_363 = arith.constant 0 : i32
      %dma_wait3A_364 = tpu.memref_slice %arg11[%run_scoped3A_347, %dma_wait3A_363] : memref<128x128xf32, #tpu.memory_space<vmem>> -> memref<1x128xf32, #tpu.memory_space<vmem>>
      %dma_wait3A_365 = tpu.memref_squeeze %dma_wait3A_364 : memref<1x128xf32, #tpu.memory_space<vmem>> -> memref<128xf32, #tpu.memory_space<vmem>>
      %dma_wait3A_366 = tpu.memref_slice %arg8[%add3A_346] : memref<10240xf32, #tpu.memory_space<vmem_shared>> -> memref<128xf32, #tpu.memory_space<vmem_shared>>
      %dma_wait3A_367 = arith.constant 0 : i32
      %dma_wait3A_368 = tpu.memref_slice %arg11[%run_scoped3A_347, %dma_wait3A_367] : memref<128x128xf32, #tpu.memory_space<vmem>> -> memref<1x128xf32, #tpu.memory_space<vmem>>
      %dma_wait3A_369 = tpu.memref_squeeze %dma_wait3A_368 : memref<1x128xf32, #tpu.memory_space<vmem>> -> memref<128xf32, #tpu.memory_space<vmem>>
      %dma_wait3A_370 = tpu.memref_slice %arg8[%add3A_346] : memref<10240xf32, #tpu.memory_space<vmem_shared>> -> memref<128xf32, #tpu.memory_space<vmem_shared>>
      tpu.wait_dma2 semaphore(%run_scoped3A_354 : memref<!tpu.dma_semaphore, #tpu.memory_space<semaphore_mem>>) src(%dma_wait3A_370 : memref<128xf32, #tpu.memory_space<vmem_shared>>) dst(%dma_wait3A_369 : memref<128xf32, #tpu.memory_space<vmem>>)
      tpu.yield
    }) : () -> ()
    %mul3A_348 = arith.constant 10240 : i32
    %mul3A_349 = arith.muli %arg0, %mul3A_348 : i32
    %add3A_350 = arith.addi %mul3A_349, %mul3A_11 : i32
    %add3A_351 = arith.constant 512 : i32
    %add3A_352 = arith.addi %add3A_350, %add3A_351 : i32
    %run_scoped3A_353 = arith.constant 0 : i32
    "tpu.region"() ({
      %run_scoped3A_354 = tpu.sem_alloc : memref<!tpu.dma_semaphore, #tpu.memory_space<semaphore_mem>>
      %dma_start3A_355 = arith.constant 0 : i32
      %dma_start3A_356 = tpu.memref_slice %arg11[%run_scoped3A_353, %dma_start3A_355] : memref<128x128xf32, #tpu.memory_space<vmem>> -> memref<1x128xf32, #tpu.memory_space<vmem>>
      %dma_start3A_357 = tpu.memref_squeeze %dma_start3A_356 : memref<1x128xf32, #tpu.memory_space<vmem>> -> memref<128xf32, #tpu.memory_space<vmem>>
      %dma_start3A_358 = tpu.memref_slice %arg6[%add3A_352] : memref<20480xf32, #tpu.memory_space<hbm>> -> memref<128xf32, #tpu.memory_space<hbm>>
      %dma_start3A_359 = tpu.memref_slice %arg6[%add3A_352] : memref<20480xf32, #tpu.memory_space<hbm>> -> memref<128xf32, #tpu.memory_space<hbm>>
      %dma_start3A_360 = arith.constant 0 : i32
      %dma_start3A_361 = tpu.memref_slice %arg11[%run_scoped3A_353, %dma_start3A_360] : memref<128x128xf32, #tpu.memory_space<vmem>> -> memref<1x128xf32, #tpu.memory_space<vmem>>
      %dma_start3A_362 = tpu.memref_squeeze %dma_start3A_361 : memref<1x128xf32, #tpu.memory_space<vmem>> -> memref<128xf32, #tpu.memory_space<vmem>>
      tpu.enqueue_dma source(%dma_start3A_362 : memref<128xf32, #tpu.memory_space<vmem>>) target(%dma_start3A_359 : memref<128xf32, #tpu.memory_space<hbm>>) target_semaphore(%run_scoped3A_354 : memref<!tpu.dma_semaphore, #tpu.memory_space<semaphore_mem>>)
      %dma_wait3A_363 = arith.constant 0 : i32
      %dma_wait3A_364 = tpu.memref_slice %arg11[%run_scoped3A_353, %dma_wait3A_363] : memref<128x128xf32, #tpu.memory_space<vmem>> -> memref<1x128xf32, #tpu.memory_space<vmem>>
      %dma_wait3A_365 = tpu.memref_squeeze %dma_wait3A_364 : memref<1x128xf32, #tpu.memory_space<vmem>> -> memref<128xf32, #tpu.memory_space<vmem>>
      %dma_wait3A_366 = tpu.memref_slice %arg6[%add3A_352] : memref<20480xf32, #tpu.memory_space<hbm>> -> memref<128xf32, #tpu.memory_space<hbm>>
      %dma_wait3A_367 = tpu.memref_slice %arg6[%add3A_352] : memref<20480xf32, #tpu.memory_space<hbm>> -> memref<128xf32, #tpu.memory_space<hbm>>
      %dma_wait3A_368 = arith.constant 0 : i32
      %dma_wait3A_369 = tpu.memref_slice %arg11[%run_scoped3A_353, %dma_wait3A_368] : memref<128x128xf32, #tpu.memory_space<vmem>> -> memref<1x128xf32, #tpu.memory_space<vmem>>
      %dma_wait3A_370 = tpu.memref_squeeze %dma_wait3A_369 : memref<1x128xf32, #tpu.memory_space<vmem>> -> memref<128xf32, #tpu.memory_space<vmem>>
      tpu.wait_dma2 semaphore(%run_scoped3A_354 : memref<!tpu.dma_semaphore, #tpu.memory_space<semaphore_mem>>) src(%dma_wait3A_370 : memref<128xf32, #tpu.memory_space<vmem>>) dst(%dma_wait3A_367 : memref<128xf32, #tpu.memory_space<hbm>>)
      tpu.yield
    }) : () -> ()
    return
  }
}

module attributes {stable_mosaic.version = 14 : i64} {
  func.func @_prep_body(%arg0: memref<10000x128xf32, #tpu.memory_space<vmem>>, %arg1: memref<128x128xf32, #tpu.memory_space<vmem>>, %arg2: memref<1x128xf32, #tpu.memory_space<vmem>>, %arg3: memref<1x128xf32, #tpu.memory_space<vmem>>, %arg4: memref<1x1xf32, #tpu.memory_space<vmem>>, %arg5: memref<10000x128xf32, #tpu.memory_space<vmem>>, %arg6: memref<1x10000xf32, #tpu.memory_space<vmem>>) attributes {dimension_semantics = [], scalar_prefetch = 0 : i64, scratch_operands = 0 : i64, tpu.core_type = #tpu.core_type<tc>} {
    %get3A = arith.constant 0 : index
    %get3A_0 = arith.constant 0 : index
    %get3A_1 = vector.load %arg0[%get3A, %get3A_0] : memref<10000x128xf32, #tpu.memory_space<vmem>>, vector<10000x128xf32>
    %get3A_2 = arith.constant 0 : index
    %get3A_3 = arith.constant 0 : index
    %get3A_4 = vector.load %arg1[%get3A_2, %get3A_3] : memref<128x128xf32, #tpu.memory_space<vmem>>, vector<128x128xf32>
    %dot_general3A = arith.constant dense<0.000000e+00> : vector<10000x128xf32>
    %dot_general3A_5 = tpu.matmul %get3A_1, %get3A_4, %dot_general3A {dimension_numbers = #tpu.dot_dimension_numbers<[1], [0], [0], [1], [0, 0, 1, 1], [], []>, transpose_lhs_hint = false} : vector<10000x128xf32>, vector<128x128xf32>, vector<10000x128xf32> -> vector<10000x128xf32>
    %get3A_6 = arith.constant 0 : index
    %get3A_7 = arith.constant 0 : index
    %get3A_8 = vector.load %arg2[%get3A_6, %get3A_7] : memref<1x128xf32, #tpu.memory_space<vmem>>, vector<1x128xf32>
    %add3A = vector.broadcast %get3A_8 : vector<1x128xf32> to vector<10000x128xf32>
    %add3A_9 = arith.addf %dot_general3A_5, %add3A : vector<10000x128xf32>
    %tanh3A = math.tanh %add3A_9 : vector<10000x128xf32>
    %get3A_10 = arith.constant 0 : index
    %get3A_11 = arith.constant 0 : index
    %get3A_12 = vector.load %arg3[%get3A_10, %get3A_11] : memref<1x128xf32, #tpu.memory_space<vmem>>, vector<1x128xf32>
    %mul3A = vector.broadcast %get3A_12 : vector<1x128xf32> to vector<10000x128xf32>
    %mul3A_13 = arith.mulf %tanh3A, %mul3A : vector<10000x128xf32>
    %reduce_sum3A = arith.constant dense<0.000000e+00> : vector<10000xf32>
    %reduce_sum3A_14 = vector.multi_reduction <add>, %mul3A_13, %reduce_sum3A [1] : vector<10000x128xf32> to vector<10000xf32>
    %get3A_15 = arith.constant 0 : index
    %get3A_16 = arith.constant 0 : index
    %get3A_17 = vector.load %arg4[%get3A_15, %get3A_16] : memref<1x1xf32, #tpu.memory_space<vmem>>, vector<1x1xf32>
    %get3A_18 = vector.extract %get3A_17[0, 0] : f32 from vector<1x1xf32>
    %add3A_19 = vector.broadcast %get3A_18 : f32 to vector<10000xf32>
    %add3A_20 = arith.addf %reduce_sum3A_14, %add3A_19 : vector<10000xf32>
    %reduce_max3A = vector.shape_cast %add3A_20 : vector<10000xf32> to vector<1x10000xf32>
    %reduce_max3A_21 = arith.constant dense<0xFF800000> : vector<1xf32>
    %reduce_max3A_22 = vector.multi_reduction <maximumf>, %reduce_max3A, %reduce_max3A_21 [1] : vector<1x10000xf32> to vector<1xf32>
    %reduce_max3A_23 = vector.shape_cast %reduce_max3A_22 : vector<1xf32> to vector<1x1xf32>
    %reduce_max3A_24 = vector.extract %reduce_max3A_23[0, 0] : f32 from vector<1x1xf32>
    %sub3A = vector.broadcast %reduce_max3A_24 : f32 to vector<10000xf32>
    %sub3A_25 = arith.subf %add3A_20, %sub3A : vector<10000xf32>
    %exp3A = math.exp %sub3A_25 : vector<10000xf32>
    %swap3A = arith.constant 0 : index
    %swap3A_26 = arith.constant 0 : index
    %swap3A_27 = vector.load %arg6[%swap3A, %swap3A_26] : memref<1x10000xf32, #tpu.memory_space<vmem>>, vector<1x10000xf32>
    %swap3A_28 = vector.shape_cast %swap3A_27 : vector<1x10000xf32> to vector<10000xf32>
    %swap3A_29 = vector.shape_cast %exp3A : vector<10000xf32> to vector<1x10000xf32>
    tpu.vector_store %arg6[%swap3A, %swap3A_26], %swap3A_29 {strides = array<i32>} : memref<1x10000xf32, #tpu.memory_space<vmem>>, vector<1x10000xf32>,
    %broadcast_in_dim3A = vector.shape_cast %exp3A : vector<10000xf32> to vector<10000x1xf32>
    %mul3A_30 = vector.broadcast %broadcast_in_dim3A : vector<10000x1xf32> to vector<10000x128xf32>
    %mul3A_31 = arith.mulf %get3A_1, %mul3A_30 : vector<10000x128xf32>
    %swap3A_32 = arith.constant 0 : index
    %swap3A_33 = arith.constant 0 : index
    %swap3A_34 = vector.load %arg5[%swap3A_32, %swap3A_33] : memref<10000x128xf32, #tpu.memory_space<vmem>>, vector<10000x128xf32>
    tpu.vector_store %arg5[%swap3A_32, %swap3A_33], %mul3A_31 {strides = array<i32>} : memref<10000x128xf32, #tpu.memory_space<vmem>>, vector<10000x128xf32>,
    return
  }
}

module attributes {stable_mosaic.version = 14 : i64} {
  func.func @_final_body(%arg0: i32, %arg1: memref<2x1024x128xf32, #tpu.memory_space<vmem>>, %arg2: memref<2x1x1x1024xf32, #tpu.memory_space<vmem>>, %arg3: memref<1x128xf32, #tpu.memory_space<vmem>>, %arg4: memref<1x128xf32, #tpu.memory_space<vmem>>, %arg5: memref<1024x128xf32, #tpu.memory_space<vmem>>) attributes {dimension_semantics = [#tpu.dimension_semantics<arbitrary>], iteration_bounds = array<i64: 10>, scalar_prefetch = 0 : i64, scratch_operands = 0 : i64, tpu.core_type = #tpu.core_type<tc>, window_params = [{transform_indices = @transform_0, window_bounds = array<i64: 2, 1024, 128>}, {transform_indices = @transform_1, window_bounds = array<i64: 2, 1, 1, 1024>}, {pipeline_mode = #tpu.pipeline_mode<synchronous>, transform_indices = @transform_2, window_bounds = array<i64: 1, 128>}, {pipeline_mode = #tpu.pipeline_mode<synchronous>, transform_indices = @transform_3, window_bounds = array<i64: 1, 128>}, {transform_indices = @transform_4, window_bounds = array<i64: 1024, 128>}]} {
    %get3A = arith.constant 0 : index
    %get3A_0 = arith.constant 0 : index
    %get3A_1 = arith.constant 0 : index
    %get3A_2 = vector.load %arg1[%get3A, %get3A_0, %get3A_1] : memref<2x1024x128xf32, #tpu.memory_space<vmem>>, vector<2x1024x128xf32>
    %slice3A = vector.extract_strided_slice %get3A_2 {offsets = [0, 0, 0], sizes = [1, 1024, 128], strides = [1, 1, 1]} : vector<2x1024x128xf32> to vector<1x1024x128xf32>
    %squeeze3A = vector.shape_cast %slice3A : vector<1x1024x128xf32> to vector<1024x128xf32>
    %slice3A_3 = vector.extract_strided_slice %get3A_2 {offsets = [1, 0, 0], sizes = [1, 1024, 128], strides = [1, 1, 1]} : vector<2x1024x128xf32> to vector<1x1024x128xf32>
    %squeeze3A_4 = vector.shape_cast %slice3A_3 : vector<1x1024x128xf32> to vector<1024x128xf32>
    %add3A = arith.addf %squeeze3A, %squeeze3A_4 : vector<1024x128xf32>
    %get3A_5 = arith.constant 0 : index
    %get3A_6 = arith.constant 0 : index
    %get3A_7 = arith.constant 0 : index
    %get3A_8 = arith.constant 0 : index
    %get3A_9 = vector.load %arg2[%get3A_5, %get3A_6, %get3A_7, %get3A_8] : memref<2x1x1x1024xf32, #tpu.memory_space<vmem>>, vector<2x1x1x1024xf32>
    %slice3A_10 = vector.extract_strided_slice %get3A_9 {offsets = [0, 0, 0, 0], sizes = [1, 1, 1, 1024], strides = [1, 1, 1, 1]} : vector<2x1x1x1024xf32> to vector<1x1x1x1024xf32>
    %squeeze3A_11 = vector.shape_cast %slice3A_10 : vector<1x1x1x1024xf32> to vector<1024xf32>
    %slice3A_12 = vector.extract_strided_slice %get3A_9 {offsets = [1, 0, 0, 0], sizes = [1, 1, 1, 1024], strides = [1, 1, 1, 1]} : vector<2x1x1x1024xf32> to vector<1x1x1x1024xf32>
    %squeeze3A_13 = vector.shape_cast %slice3A_12 : vector<1x1x1x1024xf32> to vector<1024xf32>
    %add3A_14 = arith.addf %squeeze3A_11, %squeeze3A_13 : vector<1024xf32>
    %gt3A = arith.constant 0.000000e+00 : f32
    %gt3A_15 = vector.broadcast %gt3A : f32 to vector<1024xf32>
    %gt3A_16 = arith.cmpf ogt, %add3A_14, %gt3A_15 : vector<1024xf32>
    %jit3A = arith.constant 1.000000e+00 : f32
    %broadcast_in_dim3A = vector.broadcast %jit3A : f32 to vector<1024xf32>
    %select_n3A = arith.select %gt3A_16, %add3A_14, %broadcast_in_dim3A : vector<1024xi1>, vector<1024xf32>
    %broadcast_in_dim3A_17 = vector.shape_cast %select_n3A : vector<1024xf32> to vector<1024x1xf32>
    %div3A = vector.broadcast %broadcast_in_dim3A_17 : vector<1024x1xf32> to vector<1024x128xf32>
    %div3A_18 = arith.divf %add3A, %div3A : vector<1024x128xf32>
    %reduce_sum3A = arith.constant dense<0.000000e+00> : vector<1024xf32>
    %reduce_sum3A_19 = vector.multi_reduction <add>, %div3A_18, %reduce_sum3A [1] : vector<1024x128xf32> to vector<1024xf32>
    %broadcast_in_dim3A_20 = vector.shape_cast %reduce_sum3A_19 : vector<1024xf32> to vector<1024x1xf32>
    %div3A_21 = arith.constant 1.280000e+02 : f32
    %div3A_22 = vector.broadcast %div3A_21 : f32 to vector<1024x1xf32>
    %div3A_23 = arith.divf %broadcast_in_dim3A_20, %div3A_22 : vector<1024x1xf32>
    %sub3A = vector.broadcast %div3A_23 : vector<1024x1xf32> to vector<1024x128xf32>
    %sub3A_24 = arith.subf %div3A_18, %sub3A : vector<1024x128xf32>
    %integer_pow3A = arith.mulf %sub3A_24, %sub3A_24 : vector<1024x128xf32>
    %reduce_sum3A_25 = arith.constant dense<0.000000e+00> : vector<1024xf32>
    %reduce_sum3A_26 = vector.multi_reduction <add>, %integer_pow3A, %reduce_sum3A_25 [1] : vector<1024x128xf32> to vector<1024xf32>
    %broadcast_in_dim3A_27 = vector.shape_cast %reduce_sum3A_26 : vector<1024xf32> to vector<1024x1xf32>
    %div3A_28 = arith.constant 1.280000e+02 : f32
    %div3A_29 = vector.broadcast %div3A_28 : f32 to vector<1024x1xf32>
    %div3A_30 = arith.divf %broadcast_in_dim3A_27, %div3A_29 : vector<1024x1xf32>
    %sub3A_31 = vector.broadcast %div3A_23 : vector<1024x1xf32> to vector<1024x128xf32>
    %sub3A_32 = arith.subf %div3A_18, %sub3A_31 : vector<1024x128xf32>
    %add3A_33 = arith.constant 9.99999974E-6 : f32
    %add3A_34 = vector.broadcast %add3A_33 : f32 to vector<1024x1xf32>
    %add3A_35 = arith.addf %div3A_30, %add3A_34 : vector<1024x1xf32>
    %rsqrt3A = math.rsqrt %add3A_35 : vector<1024x1xf32>
    %mul3A = vector.broadcast %rsqrt3A : vector<1024x1xf32> to vector<1024x128xf32>
    %mul3A_36 = arith.mulf %sub3A_32, %mul3A : vector<1024x128xf32>
    %get3A_37 = arith.constant 0 : index
    %get3A_38 = arith.constant 0 : index
    %get3A_39 = vector.load %arg3[%get3A_37, %get3A_38] : memref<1x128xf32, #tpu.memory_space<vmem>>, vector<1x128xf32>
    %mul3A_40 = vector.broadcast %get3A_39 : vector<1x128xf32> to vector<1024x128xf32>
    %mul3A_41 = arith.mulf %mul3A_36, %mul3A_40 : vector<1024x128xf32>
    %get3A_42 = arith.constant 0 : index
    %get3A_43 = arith.constant 0 : index
    %get3A_44 = vector.load %arg4[%get3A_42, %get3A_43] : memref<1x128xf32, #tpu.memory_space<vmem>>, vector<1x128xf32>
    %add3A_45 = vector.broadcast %get3A_44 : vector<1x128xf32> to vector<1024x128xf32>
    %add3A_46 = arith.addf %mul3A_41, %add3A_45 : vector<1024x128xf32>
    %swap3A = arith.constant 0 : index
    %swap3A_47 = arith.constant 0 : index
    %swap3A_48 = vector.load %arg5[%swap3A, %swap3A_47] : memref<1024x128xf32, #tpu.memory_space<vmem>>, vector<1024x128xf32>
    tpu.vector_store %arg5[%swap3A, %swap3A_47], %add3A_46 {strides = array<i32>} : memref<1024x128xf32, #tpu.memory_space<vmem>>, vector<1024x128xf32>,
    return
  }
  func.func @transform_0(%arg0: i32) -> (i32, i32, i32) {
    %c0_i32 = arith.constant 0 : i32
    %c0_i32_0 = arith.constant 0 : i32
    %c0_i32_1 = arith.constant 0 : i32
    return %c0_i32, %arg0, %c0_i32_0 : i32, i32, i32
  }
  func.func @transform_1(%arg0: i32) -> (i32, i32, i32, i32) {
    %c0_i32 = arith.constant 0 : i32
    %c0_i32_0 = arith.constant 0 : i32
    %c0_i32_1 = arith.constant 0 : i32
    %c0_i32_2 = arith.constant 0 : i32
    return %c0_i32, %arg0, %c0_i32_0, %c0_i32_1 : i32, i32, i32, i32
  }
  func.func @transform_2(%arg0: i32) -> (i32, i32) {
    %c0_i32 = arith.constant 0 : i32
    %c0_i32_0 = arith.constant 0 : i32
    %c0_i32_1 = arith.constant 0 : i32
    return %c0_i32, %c0_i32_0 : i32, i32
  }
  func.func @transform_3(%arg0: i32) -> (i32, i32) {
    %c0_i32 = arith.constant 0 : i32
    %c0_i32_0 = arith.constant 0 : i32
    %c0_i32_1 = arith.constant 0 : i32
    return %c0_i32, %c0_i32_0 : i32, i32
  }
  func.func @transform_4(%arg0: i32) -> (i32, i32) {
    %c0_i32 = arith.constant 0 : i32
    %c0_i32_0 = arith.constant 0 : i32
    return %arg0, %c0_i32 : i32, i32
  }
}

</mosaic_0001>

<sc_bundles>
// kernel: kernel.5.cloned.1.call-start
scs
__scs_entry_jumppad:
0x0: {  	(pc) =	sbr.rel $0x88, $3  }
0x1: {  	(tag) =	ssettag $0x0;
	lr =	simm.s32 $0x1  }
0x2: {  	[smem:$0x3F99] =	sst lr;
	_ =	strace $0xD0000000  }
0x3: {  	_ = 	snop  }
0x4: {  	_ = 	snop  }
0x5: {  	_ = 	snop  }
0x6: {  	_ = 	snop  }
0x7: {  	_ = 	snop  }
__scs_overlays_trampoline_lowered:
0x8: {  	[smem:$0x3FA8] =	sst s0  }
0x9: {  	[smem:$0x3FA9] =	sst s1  }
0xa: {  	[smem:$0x3FAA] =	sst s2  }
0xb: {  	[smem:$0x3FAB] =	sst s3  }
0xc: {  	[smem:$0x3FAC] =	sst s4  }
0xd: {  	[smem:$0x3FAD] =	sst s5  }
0xe: {  	[smem:$0x3FAE] =	sst s6  }
0xf: {  	[smem:$0x3FAF] =	sst s7  }
0x10: {  	[smem:$0x3FB0] =	sst s8  }
0x11: {  	[smem:$0x3FB1] =	sst s9;
	s0 =	simm.s32 @!p0 $0x0  }
0x12: {  	s1 =	sld [smem:$0x3F97];
	s0 =	simm.s32 @p0 $0x1  }
0x13: {  	[smem:$0x3FB2] =	sst s0;
	s0 =	simm.s32 @!p1 $0x0  }
0x14: {  	s2 =	sld [smem:$0x3F96];
	s0 =	simm.s32 @p1 $0x1  }
0x15: {  	[smem:$0x3FB3] =	sst s0;
	s0 =	simm.s32 @!p2 $0x0  }
0x16: {  	s3 =	sld [smem:$0x3FDB];
	s0 =	simm.s32 @p2 $0x1  }
0x17: {  	s4 =	simm.s32 $0x1BF5;
	[smem:$0x3FB5] =	sst s0  }
0x18: {  	s0 =	sld [smem:$0x3F98];
	_ =	swait.ge [sflag:s4], $0x0  }
0x19: {  	s7 =	sld [smem:$0x3F99]  }
0x1a: {  	s8 =	sadd.s32 $0xFFFFE003, lr  }
0x1b: {  	s9 =	sadd.s32 $0xFFFFFEF7, lr;
	s5 =	simm.s32 $0xFFFFFFFF;
	p2 =	slt.u32 s8, $0xFFFFF086  }
0x1c: {  	p1 =	slt.u32 s9, $0xF7A;
	s5 =	simm.s32 @!p2 $0x0  }
0x1d: {  	s5 =	simm.s32 @p1 $0x1;
	p0 =	seq.s32 s7, s2  }
0x1e: {  	s7 =	smul.u32 @!p0 $0xF7A, s2;
	p2 =	seq.s32 @!p0 s5, $0x0  }
0x1f: {  	s9 =	smul.u32 $0xF7A, s1;
	s8 =	simm.s32 @!p0 $0x1BF5;
	p2 =	por !p2, p0  }
0x20: {  	[sflag:s8] =	ssyncset.s32 @!p0 $0xFFFFF086;
	s6 =	sadd.s32 @!p0 s3, s7;
	s7 =	simm.s32 @!p0 $0x108  }
0x21: {  	s3 =	sadd.s32 s3, s9;
	s6 =	sadd.s32 @!p0 $0x88, s6;
	s7 =	simm.s32 @p2 $0x1082  }
0x22: {  	[simem:s7], [sflag:s8] =	dma.local @!p0 [hbm:s6], $0xF7A  }
0x23: {  	s9 =	sor.u32 $0xD0000000, s2;
	s6 =	simm.s32 $0x108;
	_ =	swait.ge @!p0 [sflag:s8], $0x0  }
0x24: {  	s3 =	sadd.s32 $0x88, s3;
	s6 =	simm.s32 @!p1 $0x1082;
	[sflag:s4] =	ssyncset.s32 $0xFFFFF086  }
0x25: {  	[simem:s6], [sflag:s4] =	dma.local [hbm:s3], $0xF7A  }
0x26: {  	[smem:$0x3F99] =	sst s1;
	(tag) =	ssettag s2;
	_ =	strace s9  }
0x27: {  	s1 =	sld [smem:$0x3FA9]  }
0x28: {  	s2 =	sld [smem:$0x3FAA]  }
0x29: {  	s4 =	sld [smem:$0x3FAC]  }
0x2a: {  	p0 =	seq.s32 s5, $0x0;
	s5 =	sld [smem:$0x3FAD]  }
0x2b: {  	s6 =	sld [smem:$0x3FAE]  }
0x2c: {  	s7 =	sld [smem:$0x3FAF]  }
0x2d: {  	s3 =	simm.s32 $0x108;
	s8 =	sld [smem:$0x3FB0]  }
0x2e: {  	s3 =	simm.s32 @!p0 $0x1082;
	s9 =	sld [smem:$0x3FB1]  }
0x2f: {  	lr =	sadd.s32 s0, s3;
	s0 =	sld [smem:$0x3FA8]  }
0x30: {  	s3 =	sld [smem:$0x3FAB]  }
0x31: {  	[smem:$0x3FB4] =	sst s10  }
0x32: {  	s10 =	sld [smem:$0x3FB2];
	_ =	sdelay $0x3  }
0x33: {  	p0 =	seq.s32 s10, $0x1;
	s10 =	sld [smem:$0x3FB4];
	_ =	sdelay $0x3  }
0x34: {  	[smem:$0x3FB4] =	sst s10  }
0x35: {  	s10 =	sld [smem:$0x3FB3];
	_ =	sdelay $0x3  }
0x36: {  	p1 =	seq.s32 s10, $0x1;
	s10 =	sld [smem:$0x3FB4];
	_ =	sdelay $0x3  }
0x37: {  	[smem:$0x3FB4] =	sst s10  }
0x38: {  	s10 =	sld [smem:$0x3FB5]  }
0x39: {  	_ = 	snop;
	(pc) =	sbr.ind lr, $3  }
0x3a: {  	_ = 	snop  }
0x3b: {  	_ = 	snop  }
0x3c: {  	p2 =	seq.s32 s10, $0x1;
	s10 =	sld [smem:$0x3FB4]  }
0x3d: {  	_ =	shalt  }
0x3e: {  	_ =	shalt  }
0x3f: {  	_ =	shalt  }
0x40: {  	_ =	shalt  }
0x41: {  	_ =	shalt  }
0x42: {  	_ =	shalt  }
0x43: {  	_ =	shalt  }
0x44: {  	_ =	shalt  }
0x45: {  	_ =	shalt  }
0x46: {  	_ =	shalt  }
0x47: {  	_ =	shalt  }
0x48: {  	_ =	shalt  }
0x49: {  	_ =	shalt  }
0x4a: {  	_ =	shalt  }
0x4b: {  	_ =	shalt  }
0x4c: {  	_ =	shalt  }
0x4d: {  	_ =	shalt  }
0x4e: {  	_ =	shalt  }
0x4f: {  	_ =	shalt  }
0x50: {  	_ =	shalt  }
0x51: {  	_ =	shalt  }
0x52: {  	_ =	shalt  }
0x53: {  	_ =	shalt  }
0x54: {  	_ =	shalt  }
0x55: {  	_ =	shalt  }
0x56: {  	_ =	shalt  }
0x57: {  	_ =	shalt  }
0x58: {  	_ =	shalt  }
0x59: {  	_ =	shalt  }
0x5a: {  	_ =	shalt  }
0x5b: {  	_ =	shalt  }
0x5c: {  	_ =	shalt  }
0x5d: {  	_ =	shalt  }
0x5e: {  	_ =	shalt  }
0x5f: {  	_ =	shalt  }
0x60: {  	_ =	shalt  }
0x61: {  	_ =	shalt  }
0x62: {  	_ =	shalt  }
0x63: {  	_ =	shalt  }
0x64: {  	_ =	shalt  }
0x65: {  	_ =	shalt  }
0x66: {  	_ =	shalt  }
0x67: {  	_ =	shalt  }
0x68: {  	_ =	shalt  }
0x69: {  	_ =	shalt  }
0x6a: {  	_ =	shalt  }
0x6b: {  	_ =	shalt  }
0x6c: {  	_ =	shalt  }
0x6d: {  	_ =	shalt  }
0x6e: {  	_ =	shalt  }
0x6f: {  	_ =	shalt  }
0x70: {  	_ =	shalt  }
0x71: {  	_ =	shalt  }
0x72: {  	_ =	shalt  }
0x73: {  	_ =	shalt  }
0x74: {  	_ =	shalt  }
0x75: {  	_ =	shalt  }
0x76: {  	_ =	shalt  }
0x77: {  	_ =	shalt  }
0x78: {  	_ =	shalt  }
0x79: {  	_ =	shalt  }
0x7a: {  	_ =	shalt  }
0x7b: {  	_ =	shalt  }
0x7c: {  	_ =	shalt  }
0x7d: {  	_ =	shalt  }
0x7e: {  	_ =	shalt  }
0x7f: {  	_ =	shalt  }
0x80: {  	_ =	shalt  }
0x81: {  	_ =	shalt  }
0x82: {  	_ =	shalt  }
0x83: {  	_ =	shalt  }
0x84: {  	_ =	shalt  }
0x85: {  	_ =	shalt  }
0x86: {  	_ =	shalt  }
0x87: {  	_ =	shalt  }
.Lfunc_end0:
.L_simem_size_0:
called_computation_lowered:
.L_overlay_start_0:
0x88: {  	s2 =	sld [smem:$0x3FD9]  }
0x89: {  	s3 =	sld [smem:$0x3FFE];
	_ =	sdelay $0x1  }
0x8a: {  	s1 =	srdreg.scid  }
0x8b: {  	s0 =	sand.u32 $0x1, s1  }
0x8c: {  	s17 =	sshll.u32 s0, $0xA;
	s2 =	sadd.s32 s3, s2  }
0x8d: {  	s2 =	sadd.s32 s2, s17  }
0x8e: {  	[smem:$0x3FC0] =	sst s2  }
0x8f: {  	_ = 	snop  }
0x90: {  	s2 =	sld [smem:$0x3FD0];
	(tm) =	ssettm $0x1  }
0x91: {  	s18 =	sld [smem:$0x3FFB];
	_ =	sdelay $0x3  }
0x92: {  	_ =	strace s18  }
0x93: {  	s3 =	sld [smem:$0x3FFC];
	_ =	sdelay $0x3  }
0x94: {  	_ =	strace s3  }
0x95: {  	s3 =	sld [smem:$0x3FFD];
	_ =	sdelay $0x3  }
0x96: {  	_ =	strace s3  }
0x97: {  	_ =	strace $0x8FFFFFFF  }
0x98: {  	s19 =	sld [smem:$0x3FDB];
	_ =	sdelay $0x1  }
0x99: {  	s4 =	simm.s32 $_scs_section_size  }
0x9a: {  	s5 =	simm.s32 $_size__tile_overlayer_lowered;
	s6 =	simm.s32 $_tile_overlayer_lowered  }
0x9b: {  	s22 =	simm.s32 $0x1BFF;
	s21 =	sshll.u32 s6, $0x1;
	s3 =	sadd.s32 s4, s19  }
0x9c: {  	s7 =	simm.s32 $0x0;
	s20 =	sshll.u32 s5, $0x1;
	s5 =	sadd.s32 s21, s3  }
0x9d: {  	[timem:s7], [sflag:s22] =	dma.local [hbm:s5], s20  }
0x9e: {  	_ =	swait.ge [sflag:s22], s20  }
0x9f: {  	s4 =	ssub.s32 $0x0, s20;
	[sflag:s22] =	ssyncset.done $0x0  }
0xa0: {  	[sflag:s22] =	ssyncadd.s32 s4;
	_ =	sdelay $0x1  }
0xa1: {  	s23 =	simm.s32 $0x1B8B  }
0xa2: {  	_ =	swait.ge [sflag:s23], $0x1  }
0xa3: {  	[sflag:s23] =	ssyncset.done $0x0  }
0xa4: {  	s25 =	simm.s32 $0x1B8E;
	s24 =	sld [smem:$0x3FFE];
	[sflag:s23] =	ssyncadd.s32 $0xFFFFFFFF  }
0xa5: {  	s26 =	simm.s32 $execute0_lowered;
	[smem:$0x3FD2] =	sst s25  }
0xa6: {  	s5 =	sshll.u32 s26, $0x1;
	_ =	strace $0x80000046;
	[dreg:$0x1] =	wrdreg $0xFFFFFFFF  }
0xa7: {  	s28 =	simm.s32 $_size_execute0_lowered;
	s3 =	sadd.s32 s3, s5;
	[dreg:$0x0] =	wrdreg $0x0  }
0xa8: {  	s5 =	sshll.u32 s28, $0x1;
	[dreg:$0x2] =	wrdreg s3  }
0xa9: {  	[dreg:$0x3] =	wrdreg s5  }
0xaa: {  	[dreg:$0x4] =	wrdreg $0xC0  }
0xab: {  	_ =	task [dreg:s7], $0x5FFFF  }
0xac: {  	[dreg:$0x1] =	wrdreg $0xFFFFFFFF  }
0xad: {  	[dreg:$0x0] =	wrdreg $0x60  }
0xae: {  	[dreg:$0x2] =	wrdreg s2  }
0xaf: {  	[dreg:$0x3] =	wrdreg s24  }
0xb0: {  	[dreg:$0x4] =	wrdreg $0x0  }
0xb1: {  	[dreg:$0x5] =	wrdreg $0x140000  }
0xb2: {  	[dreg:$0x6] =	wrdreg $0x9  }
0xb3: {  	_ =	task.clear_ibuf [dreg:s7], $0x7FFFF;
	_ =	strace $0x90000046  }
0xb4: {  	s29 =	simm.s32 $0x9;
	_ =	strace $0x80000048  }
0xb5: {  	_ =	swait.ge [sflag:s29], $0x1  }
0xb6: {  	[sflag:s29] =	ssyncadd.s32 $0xFFFFFFFF  }
0xb7: {  	_ =	strace $0x90000048  }
0xb8: {  	_ =	sfence  }
0xb9: {  	s30 =	sld [smem:$0x0];
	_ =	sdelay $0x2  }
0xba: {  	s31 =	sshll.u32 s1, $0xD;
	s1 =	sshrl.u32 s1, $0x2  }
0xbb: {  	s3 =	sand.u32 $0x4000, s31;
	s1 =	sadd.s32 s1, s30  }
0xbc: {  	s0 =	sor.u32 s3, s0;
	s1 =	sshll.u32 s1, $0x11  }
0xbd: {  	s0 =	sor.u32 s1, s0  }
0xbe: {  	s0 =	sadd.s32 $0x8F2B, s0  }
0xbf: {  	[sflag:s0] =	ssyncadd.remote.s32 $0x1  }
0xc0: {  	_ =	sfence.sel $0xFFFF  }
0xc1: {  	[dreg:$0x0] =	wrdreg $0xFFFFFFFF;
	(pc) =	sbr.abs _section_cstart, $3  }
0xc2: {  	[dreg:$0x1] =	wrdreg $0xFFFFFFFF  }
0xc3: {  	_ =	task.clear_ibuf [dreg:s7], $0x2FFFF;
	_ =	strace $0x9FFFFFFF  }
0xc4: {  	(tm) =	ssettm $0x7FFFFFFF  }
0xc5: {  	_ =	shalt  }
tec
execute0_lowered:
.L_overlay_start_1:
0x0: {  	(tag) =	ssettag $0x1  }
0x1: {  	s0 =	srdreg.scid  }
0x2: {  	s17 =	stileid.u32;
	s4 =	rddreg [dreg:$0x1];
	s6 =	sand.u32 $0x1, s0  }
0x3: {  	s7 =	sadd.s32 $0x1800, s4;
	s8 =	sadd.s32 $0x15800, s4;
	s0 =	sshll.u32 s6, $0x4  }
0x4: {  	s21 =	ssub.s32 $0x2, s6;
	s13 =	smul.u32 $0x2800, s6;
	s5 =	sor.u32 s17, s0  }
0x5: {  	s9 =	sadd.s32 $0x65800, s4;
	s1 =	sshrl.u32 s21, $0x1;
	s2 =	smul.u32 $0x50, s5  }
0x6: {  	s11 =	sadd.s32 $0xB480, s4;
	s3 =	ssub.s32 s21, s1;
	s1 =	smul.u32 $0x280, s17  }
0x7: {  	p0 =	seq.s32 s5, $0x1F;
	s10 =	smin.u32 s2, $0x998;
	s12 =	sadd.s32 $0x28, s2  }
0x8: {  	s13 =	sadd.s32 s1, s13;
	s22 =	sshll.u32 s10, $0x4;
	s23 =	smin.u32 s12, $0x998  }
0x9: {  	s25 =	sadd.s32 $0x80, s13;
	s26 =	sshll.u32 s13, $0x4;
	s31 =	sadd.s32 $0x100, s13  }
0xa: {  	s20 =	sadd.s32 $0x180, s13;
	s21 =	sadd.s32 $0x200, s13;
	s13 =	sshrl.u32 s13, $0x3  }
0xb: {  	s14 =	sadd.s32 s22, s11;
	s0 =	sadd.s32 s7, s22;
	s24 =	sshll.u32 s23, $0x4  }
0xc: {  	s30 =	sshll.u32 s25, $0x4;
	s19 =	sshll.u32 s31, $0x4;
	s15 =	sshll.u32 s20, $0x4  }
0xd: {  	s16 =	sshll.u32 s21, $0x4;
	s22 =	sadd.s32 s9, s13;
	[dreg:$0x5] =	wrdreg s14  }
0xe: {  	[dreg:$0x6] =	wrdreg s0;
	s0 =	ssub.s32 s12, s23;
	s11 =	sadd.s32 s24, s11  }
0xf: {  	s7 =	sadd.s32 s7, s24;
	s18 =	sadd.s32 s8, s30;
	s24 =	smul.u32 $0xA0000, s6  }
0x10: {  	s15 =	sadd.s32 s8, s15;
	[dreg:$0xe] =	wrdreg s22;
	s6 =	smul.u32 $0x500, s6  }
0x11: {  	s23 =	sshrl.u32 s31, $0x3;
	s31 =	smul.u32 $0x50, s17;
	[dreg:$0x7] =	wrdreg s11  }
0x12: {  	s30 =	sshrl.u32 s21, $0x3;
	s12 =	smul.u32 $0xA000, s17;
	[dreg:$0x8] =	wrdreg s7  }
0x13: {  	s14 =	smul.u32 $0x50000, s17;
	s17 =	ssub.s32 s2, s10;
	[dreg:$0xa] =	wrdreg s18  }
0x14: {  	s22 =	sadd.s32 $0x80, s1;
	s2 =	ssub.s32 $0x9C4, s2;
	[dreg:$0xc] =	wrdreg s15  }
0x15: {  	s11 =	sadd.s32 s8, s26;
	s7 =	sshrl.u32 s25, $0x3;
	s15 =	rddreg [dreg:$0x0]  }
0x16: {  	s25 =	sadd.s32 s9, s23;
	s26 =	sshrl.u32 s20, $0x3;
	s18 =	rddreg [dreg:$0x2]  }
0x17: {  	s20 =	sadd.s32 $0x15200, s4;
	s23 =	sshll.u32 s22, $0x7;
	s4 =	sshll.u32 s17, $0x9  }
0x18: {  	s17 =	smin.u32 s2, $0x28;
	s2 =	smax.u32 s2, $0x28;
	[dreg:$0x9] =	wrdreg s11  }
0x19: {  	s11 =	sadd.s32 s8, s19;
	s8 =	sadd.s32 s8, s16;
	[dreg:$0x10] =	wrdreg s25  }
0x1a: {  	s7 =	sadd.s32 s9, s7;
	s6 =	sadd.s32 s31, s6;
	s19 =	rddreg [dreg:$0x3]  }
0x1b: {  	s16 =	simm.s32 $0x0;
	s5 =	sshrl.u32 s14, $0x2;
	[dreg:$0xb] =	wrdreg s11  }
0x1c: {  	s21 =	sadd.s32 s23, s18;
	s4 =	sshra.s32 s4, $0x2;
	[dreg:$0xd] =	wrdreg s8  }
0x1d: {  	[dreg:$0xf] =	wrdreg s7;
	s7 =	sadd.s32 s9, s26;
	s9 =	sadd.s32 s9, s30  }
0x1e: {  	[smem:$0x7FF] =	sst s16;
	s13 =	sadd.s32 $0x28, s6;
	s6 =	smin.u32 s6, $0x998  }
0x1f: {  	s14 =	sadd.s32 s5, s18;
	s22 =	sadd.s32 s22, s19;
	[dreg:$0x11] =	wrdreg s7  }
0x20: {  	s26 =	sadd.s32 $0x180, s1;
	s5 =	sshll.u32 s0, $0x9;
	[dreg:$0x12] =	wrdreg s9  }
0x21: {  	s7 =	sadd.s32 s12, s24;
	s8 =	smin.u32 s13, $0x998;
	s6 =	sshll.u32 s6, $0x9  }
0x22: {  	s24 =	sadd.s32 $0x100, s1;
	s30 =	sshll.u32 s26, $0x7;
	s12 =	sadd.s32 s1, s19  }
0x23: {  	s1 =	sadd.s32 $0x200, s1;
	s26 =	sadd.s32 s26, s19;
	s9 =	smin.u32 s2, $0x50  }
0x24: {  	s10 =	sshra.s32 s5, $0x2;
	s8 =	sshll.u32 s8, $0x9;
	s6 =	ssub.s32 s7, s6  }
0x25: {  	_ =	strace $0x80000047;
	s25 =	sshll.u32 s24, $0x7;
	[dreg:$0x13] =	wrdreg s22  }
0x26: {  	s24 =	sadd.s32 s24, s19;
	s31 =	sshll.u32 s1, $0x7;
	[dreg:$0x16] =	wrdreg s12  }
0x27: {  	s29 =	sadd.s32 s1, s19;
	s11 =	sadd.s32 $0x14280, s10;
	[dreg:$0x17] =	wrdreg s26  }
0x28: {  	s1 =	sadd.s32 $0xFFFFFFD8, s9;
	s9 =	simm.s32 $0x2;
	[dreg:$0x1b] =	wrdreg s11  }
0x29: {  	s10 =	simm.s32 $0x3;
	s7 =	ssub.s32 s7, s8;
	[dreg:$0x14] =	wrdreg s24  }
0x2a: {  	s23 =	sadd.s32 s25, s18;
	s8 =	sadd.s32 $0x14280, s4;
	[dreg:$0x19] =	wrdreg s29  }
0x2b: {  	s25 =	sadd.s32 s30, s18;
	s30 =	smax.u32 s3, $0x1;
	[dreg:$0x1a] =	wrdreg s8  }
0x2c: {  	s28 =	sadd.s32 s31, s18;
	s13 =	sshra.s32 s6, $0x2;
	[dreg:$0x1c] =	wrdreg s30  }
0x2d: {  	s31 =	sshra.s32 s7, $0x2;
	s4 =	sadd.s32 $0x15A80, s13;
	s5 =	sadd.s32 $0x14280, s13  }
0x2e: {  	s8 =	simm.s32 $0x17280;
	s13 =	simm.s32 $0x0;
	[dreg:$0x15] =	wrdreg s25  }
0x2f: {  	v0 =	vimm.f32 $0.0e+00;
	[dreg:$0x18] =	wrdreg s28;
	s6 =	sadd.s32 $0x15A80, s31;
	s7 =	sadd.s32 $0x14280, s31  }
.LBB2_1:
0x30: {  	s3 =	simm.s32 $0x0;
	s11 =	simm.s32 $0x200  }
.LBB2_2:
0x31: {  	p1 =	sne.s32 s11, $0xFE00;
	[tilespmem:s3+$0x172F0] =	vst v0  }
0x32: {  	[tilespmem:s3+$0x17280] =	vst v0  }
0x33: {  	[tilespmem:s3+$0x17290] =	vst v0  }
.Ltmp0:
0x34: {  	[tilespmem:s3+$0x172A0] =	vst v0;
	(pc) =	sbr.rel @p1 .LBB2_2-.Ltmp0, $4  }
0x35: {  	[tilespmem:s3+$0x172B0] =	vst v0  }
0x36: {  	[tilespmem:s3+$0x172C0] =	vst v0  }
0x37: {  	[tilespmem:s3+$0x172D0] =	vst v0  }
0x38: {  	[tilespmem:s3+$0x172E0] =	vst v0;
	s3 =	sshra.s32 s11, $0x2;
	s11 =	sadd.s32 $0x200, s11  }
0x39: {  	[tilespmem:s3+$0x172F0] =	vst v0  }
0x3a: {  	[tilespmem:s3+$0x17280] =	vst v0  }
0x3b: {  	[tilespmem:s3+$0x17290] =	vst v0  }
0x3c: {  	[tilespmem:s3+$0x172A0] =	vst v0  }
0x3d: {  	[tilespmem:s3+$0x172B0] =	vst v0  }
0x3e: {  	[tilespmem:s3+$0x172C0] =	vst v0  }
0x3f: {  	[tilespmem:s3+$0x172D0] =	vst v0  }
0x40: {  	[tilespmem:s3+$0x172E0] =	vst v0  }
0x41: {  	[spmem:s14] =	stream.linear.scatter [tilespmem:s8], [sflag:$0x2], $0x4000, $0x38;
	[tilespmem:$0x1F380] =	vst v63  }
0x42: {  	_ = 	snop  }
0x43: {  	[spmem:s12] =	stream.linear.scatter [tilespmem:s8], [sflag:$0x2], $0x80, $0x38;
	[tilespmem:$0x1F380] =	vst v63  }
0x44: {  	_ = 	snop  }
0x45: {  	[spmem:s21] =	stream.linear.scatter [tilespmem:s8], [sflag:$0x2], $0x4000, $0x38;
	[tilespmem:$0x1F380] =	vst v63  }
0x46: {  	_ = 	snop  }
0x47: {  	[spmem:s22] =	stream.linear.scatter [tilespmem:s8], [sflag:$0x2], $0x80, $0x38;
	[tilespmem:$0x1F380] =	vst v63  }
0x48: {  	_ = 	snop  }
0x49: {  	[spmem:s23] =	stream.linear.scatter [tilespmem:s8], [sflag:$0x2], $0x4000, $0x38;
	[tilespmem:$0x1F380] =	vst v63  }
0x4a: {  	_ = 	snop  }
0x4b: {  	[spmem:s24] =	stream.linear.scatter [tilespmem:s8], [sflag:$0x2], $0x80, $0x38;
	[tilespmem:$0x1F380] =	vst v63  }
0x4c: {  	_ = 	snop  }
0x4d: {  	[spmem:s25] =	stream.linear.scatter [tilespmem:s8], [sflag:$0x2], $0x4000, $0x38;
	[tilespmem:$0x1F380] =	vst v63  }
0x4e: {  	_ = 	snop  }
0x4f: {  	[spmem:s26] =	stream.linear.scatter [tilespmem:s8], [sflag:$0x2], $0x80, $0x38;
	[tilespmem:$0x1F380] =	vst v63  }
0x50: {  	_ = 	snop  }
0x51: {  	[spmem:s28] =	stream.linear.scatter [tilespmem:s8], [sflag:$0x2], $0x4000, $0x38;
	[tilespmem:$0x1F380] =	vst v63  }
0x52: {  	_ = 	snop  }
0x53: {  	[spmem:s29] =	stream.linear.scatter [tilespmem:s8], [sflag:$0x2], $0x80, $0x38;
	[tilespmem:$0x1F380] =	vst v63  }
0x54: {  	_ =	swait.ge [sflag:s9], $0x4000  }
0x55: {  	[sflag:s9] =	ssyncset.done $0x0  }
0x56: {  	[sflag:s9] =	ssyncadd.s32 $0xFFFFC000  }
0x57: {  	_ =	swait.ge [sflag:s9], $0x80  }
0x58: {  	[sflag:s9] =	ssyncset.done $0x0  }
0x59: {  	[sflag:s9] =	ssyncadd.s32 $0xFFFFFF80  }
0x5a: {  	_ =	swait.ge [sflag:s9], $0x4000  }
0x5b: {  	[sflag:s9] =	ssyncset.done $0x0  }
0x5c: {  	[sflag:s9] =	ssyncadd.s32 $0xFFFFC000  }
0x5d: {  	_ =	swait.ge [sflag:s9], $0x80  }
0x5e: {  	[sflag:s9] =	ssyncset.done $0x0  }
0x5f: {  	[sflag:s9] =	ssyncadd.s32 $0xFFFFFF80  }
0x60: {  	_ =	swait.ge [sflag:s9], $0x4000  }
0x61: {  	[sflag:s9] =	ssyncset.done $0x0  }
0x62: {  	[sflag:s9] =	ssyncadd.s32 $0xFFFFC000  }
0x63: {  	_ =	swait.ge [sflag:s9], $0x80  }
0x64: {  	[sflag:s9] =	ssyncset.done $0x0  }
0x65: {  	[sflag:s9] =	ssyncadd.s32 $0xFFFFFF80  }
0x66: {  	_ =	swait.ge [sflag:s9], $0x4000  }
0x67: {  	[sflag:s9] =	ssyncset.done $0x0  }
0x68: {  	[sflag:s9] =	ssyncadd.s32 $0xFFFFC000  }
0x69: {  	_ =	swait.ge [sflag:s9], $0x80  }
0x6a: {  	[sflag:s9] =	ssyncset.done $0x0  }
0x6b: {  	[sflag:s9] =	ssyncadd.s32 $0xFFFFFF80  }
0x6c: {  	_ =	swait.ge [sflag:s9], $0x4000  }
0x6d: {  	[sflag:s9] =	ssyncset.done $0x0  }
0x6e: {  	[sflag:s9] =	ssyncadd.s32 $0xFFFFC000  }
0x6f: {  	_ =	swait.ge [sflag:s9], $0x80  }
0x70: {  	[sflag:s9] =	ssyncset.done $0x0  }
0x71: {  	[sflag:s9] =	ssyncadd.s32 $0xFFFFFF80  }
0x72: {  	s12 =	smov.u32 s23;
	[bflag:$0x0] =	sbarrier.arrive $0xFFFF  }
0x73: {  	s23 =	simm.s32 $0x0;
	s24 =	simm.s32 $0x14280;
	s11 =	rddreg [dreg:$0x5]  }
0x74: {  	[tilespmem:s24], [sflag:$0x3] =	stream.linear.gather [hbm4b:s11+s23], $0x1800, $0x38;
	[tilespmem:$0x1F380] =	vst v63  }
0x75: {  	_ =	swait.ge [sflag:s10], $0x1800  }
0x76: {  	[sflag:s10] =	ssyncset.done $0x0  }
0x77: {  	s26 =	simm.s32 $0x15A80;
	s25 =	rddreg [dreg:$0x6];
	[sflag:s10] =	ssyncadd.s32 $0xFFFFE800  }
0x78: {  	[tilespmem:s26], [sflag:$0x3] =	stream.linear.gather [hbm4b:s25+s23], $0x1800, $0x38;
	[tilespmem:$0x1F380] =	vst v63  }
0x79: {  	_ =	swait.ge [sflag:s10], $0x1800  }
0x7a: {  	p1 =	sle.u32 s17, $0x1;
	[sflag:s10] =	ssyncset.done $0x0  }
0x7b: {  	s29 =	simm.s32 $0x80;
	s28 =	rddreg [dreg:$0x1a];
	[sflag:s10] =	ssyncadd.s32 $0xFFFFE800  }
0x7c: {  	[tilespmem:s8], [sflag:$0x1] =	stream.indirect.gather [hbm4b:s15+s29], $0x80, s28, s29, $0xb8;
	[tilespmem:$0x1F380] =	vst v63  }
0x7d: {  	s2 =	smov.u32 s21;
	s31 =	simm.s32 $0x1F280;
	s3 =	sadd.s32 @!p1 $0x0, s5  }
0x7e: {  	[tilespmem:s31], [sflag:$0x1] =	stream.indirect.gather [hbm4b:s20+s29], $0x1, s28, s29, $0xb8;
	[tilespmem:$0x1F380] =	vst v63  }
0x7f: {  	s3 =	sadd.s32 @!p1 $0x80, s3;
	s21 =	simm.s32 @!p1 $0x80;
	s11 =	simm.s32 @!p1 $0x1B280  }
0x80: {  	[tilespmem:s11], [sflag:$0x2] =	stream.indirect.gather @!p1 [hbm4b:s15+s21], $0x80, s3, s21, $0xb8;
	[tilespmem:$0x1F380] =	vst v63  }
0x81: {  	p2 =	sle.u32 s17, $0x0;
	s22 =	simm.s32 @!p1 $0x1F300  }
0x82: {  	[tilespmem:s22], [sflag:$0x2] =	stream.indirect.gather @!p1 [hbm4b:s20+s21], $0x1, s3, s21, $0xb8;
	[tilespmem:$0x1F380] =	vst v63  }
0x83: {  	s3 =	simm.s32 @!p2 $0x1  }
0x84: {  	_ =	swait.ge @!p2 [sflag:s3], $0x4000  }
0x85: {  	[sflag:s3] =	ssyncset.done @!p2 $0x0  }
0x86: {  	[sflag:s3] =	ssyncadd.s32 @!p2 $0xFFFFC000  }
0x87: {  	s0 =	smov.u32 s14;
	_ =	swait.ge @!p2 [sflag:s3], $0x80  }
0x88: {  	s14 =	simm.s32 @!p2 $0x17280;
	s24 =	simm.s32 @!p2 $0x80;
	[sflag:s3] =	ssyncset.done @!p2 $0x0  }
0x89: {  	s23 =	sadd.s32 @!p2 $0x0, s4;
	[sflag:s3] =	ssyncadd.s32 @!p2 $0xFFFFFF80;
	s3 =	simm.s32 @!p2 $0x4  }
0x8a: {  	[spmem:s18] =	stream.indirect.scatter.add.f32 @!p2 [tilespmem:s14], [sflag:$0x4], $0x80, s23, s24, $0xb8;
	[tilespmem:$0x1F380] =	vst v63  }
0x8b: {  	_ =	swait.ge @!p2 [sflag:s3], $0x4000  }
0x8c: {  	[sflag:s3] =	ssyncset.done @!p2 $0x0  }
0x8d: {  	s14 =	simm.s32 @!p2 $0x1F280;
	[sflag:s3] =	ssyncadd.s32 @!p2 $0xFFFFC000  }
0x8e: {  	[spmem:s19] =	stream.indirect.scatter.add.f32 @!p2 [tilespmem:s14], [sflag:$0x4], $0x1, s23, s24, $0xb8;
	[tilespmem:$0x1F380] =	vst v63  }
0x8f: {  	p3 =	sle.u32 s17, $0x2;
	_ =	swait.ge @!p2 [sflag:s3], $0x80  }
0x90: {  	s14 =	simm.s32 @!p3 $0x17280;
	s23 =	sadd.s32 @!p3 $0x0, s5;
	[sflag:s3] =	ssyncset.done @!p2 $0x0  }
0x91: {  	s23 =	sadd.s32 @!p3 $0x100, s23;
	[sflag:s3] =	ssyncadd.s32 @!p2 $0xFFFFFF80;
	s3 =	simm.s32 @!p3 $0x80  }
0x92: {  	[tilespmem:s14], [sflag:$0x1] =	stream.indirect.gather @!p3 [hbm4b:s15+s3], $0x80, s23, s3, $0xb8;
	[tilespmem:$0x1F380] =	vst v63  }
0x93: {  	p1 =	por p1, p1;
	s14 =	simm.s32 @!p3 $0x1F280  }
0x94: {  	[tilespmem:s14], [sflag:$0x1] =	stream.indirect.gather @!p3 [hbm4b:s20+s3], $0x1, s23, s3, $0xb8;
	[tilespmem:$0x1F380] =	vst v63  }
0x95: {  	s3 =	simm.s32 @!p1 $0x2  }
0x96: {  	_ =	swait.ge @!p1 [sflag:s3], $0x4000  }
0x97: {  	[sflag:s3] =	ssyncset.done @!p1 $0x0  }
0x98: {  	[sflag:s3] =	ssyncadd.s32 @!p1 $0xFFFFC000  }
0x99: {  	_ =	swait.ge @!p1 [sflag:s3], $0x80  }
0x9a: {  	s14 =	sadd.s32 @!p1 $0x0, s4;
	[sflag:s3] =	ssyncset.done @!p1 $0x0  }
0x9b: {  	s23 =	sadd.s32 @!p1 $0x80, s14;
	[sflag:s3] =	ssyncadd.s32 @!p1 $0xFFFFFF80;
	s3 =	simm.s32 @!p1 $0x4  }
0x9c: {  	[spmem:s18] =	stream.indirect.scatter.add.f32 @!p1 [tilespmem:s11], [sflag:$0x4], $0x80, s23, s21, $0xb8;
	[tilespmem:$0x1F380] =	vst v63  }
0x9d: {  	_ =	swait.ge @!p1 [sflag:s3], $0x4000  }
0x9e: {  	p4 =	sle.u32 s17, $0x3;
	s30 =	simm.s32 @!p1 $0x3;
	[sflag:s3] =	ssyncset.done @!p1 $0x0  }
0x9f: {  	s14 =	simm.s32 $0x400;
	s11 =	simm.s32 @!p4 $0x100;
	[sflag:s3] =	ssyncadd.s32 @!p1 $0xFFFFC000  }
0xa0: {  	[spmem:s19] =	stream.indirect.scatter.add.f32 @!p1 [tilespmem:s22], [sflag:$0x3], $0x1, s23, s21, $0xb8;
	[tilespmem:$0x1F380] =	vst v63  }
0xa1: {  	s3 =	simm.s32 $0x2;
	s21 =	simm.s32 $0x800;
	_ =	swait.ge @!p1 [sflag:s30], $0x80  }
.LBB2_4:
0xa2: {  	s22 =	sadd.s32 @!p4 s11, s5  }
0xa3: {  	s23 =	simm.s32 @!p4 $0x1B280;
	[sflag:s30] =	ssyncset.done @!p1 $0x0;
	s29 =	smov.u32 s21  }
0xa4: {  	s25 =	sadd.s32 @!p4 $0x80, s22;
	s22 =	simm.s32 @!p4 $0x80;
	[sflag:s30] =	ssyncadd.s32 @!p1 $0xFFFFFF80  }
0xa5: {  	[tilespmem:s23], [sflag:$0x2] =	stream.indirect.gather @!p4 [hbm4b:s15+s22], $0x80, s25, s22, $0xb8;
	[tilespmem:$0x1F380] =	vst v63  }
0xa6: {  	s21 =	sadd.s32 $0x400, s21;
	s24 =	simm.s32 @!p4 $0x1F300;
	p5 =	sge.u32 s3, s17  }
0xa7: {  	[tilespmem:s24], [sflag:$0x2] =	stream.indirect.gather @!p4 [hbm4b:s20+s22], $0x1, s25, s22, $0xb8;
	[tilespmem:$0x1F380] =	vst v63  }
0xa8: {  	p3 =	sne.s32 s21, $0x5000;
	s26 =	sshra.s32 @!p5 s14, $0x2;
	s25 =	simm.s32 @!p5 $0x1  }
0xa9: {  	p1 =	por p4, p4;
	_ =	swait.ge @!p5 [sflag:s25], $0x4000  }
0xaa: {  	[sflag:s25] =	ssyncset.done @!p5 $0x0  }
0xab: {  	[sflag:s25] =	ssyncadd.s32 @!p5 $0xFFFFC000  }
0xac: {  	s28 =	simm.s32 @!p5 $0x17280;
	_ =	swait.ge @!p5 [sflag:s25], $0x80  }
0xad: {  	s30 =	simm.s32 @!p5 $0x80;
	s26 =	sadd.s32 @!p5 s26, s4;
	[sflag:s25] =	ssyncset.done @!p5 $0x0  }
0xae: {  	s31 =	simm.s32 @!p5 $0x4;
	[sflag:s25] =	ssyncadd.s32 @!p5 $0xFFFFFF80  }
0xaf: {  	[spmem:s18] =	stream.indirect.scatter.add.f32 @!p5 [tilespmem:s28], [sflag:$0x4], $0x80, s26, s30, $0xb8;
	[tilespmem:$0x1F380] =	vst v63  }
0xb0: {  	_ =	swait.ge @!p5 [sflag:s31], $0x4000  }
0xb1: {  	s3 =	sadd.s32 $0x2, s3;
	s25 =	simm.s32 @!p5 $0x1F280;
	[sflag:s31] =	ssyncset.done @!p5 $0x0  }
0xb2: {  	p2 =	sge.u32 s3, s17;
	[sflag:s31] =	ssyncadd.s32 @!p5 $0xFFFFC000  }
0xb3: {  	[spmem:s19] =	stream.indirect.scatter.add.f32 @!p5 [tilespmem:s25], [sflag:$0x4], $0x1, s26, s30, $0xb8;
	[tilespmem:$0x1F380] =	vst v63  }
0xb4: {  	s14 =	sshra.s32 @!p2 s14, $0x2;
	s26 =	simm.s32 @!p2 $0x17280;
	_ =	swait.ge @!p5 [sflag:s31], $0x80  }
0xb5: {  	s14 =	sadd.s32 @!p2 s14, s5;
	s25 =	simm.s32 @!p2 $0x80;
	[sflag:s31] =	ssyncset.done @!p5 $0x0  }
0xb6: {  	s28 =	simm.s32 @!p2 $0x1F280;
	s30 =	sadd.s32 @!p2 $0x100, s14;
	[sflag:s31] =	ssyncadd.s32 @!p5 $0xFFFFFF80  }
0xb7: {  	[tilespmem:s26], [sflag:$0x1] =	stream.indirect.gather @!p2 [hbm4b:s15+s25], $0x80, s30, s25, $0xb8;
	[tilespmem:$0x1F380] =	vst v63  }
0xb8: {  	s14 =	smov.u32 s29;
	s31 =	simm.s32 @!p1 $0x2  }
0xb9: {  	[tilespmem:s28], [sflag:$0x1] =	stream.indirect.gather @!p2 [hbm4b:s20+s25], $0x1, s30, s25, $0xb8;
	[tilespmem:$0x1F380] =	vst v63  }
0xba: {  	_ =	swait.ge @!p1 [sflag:s31], $0x4000  }
0xbb: {  	[sflag:s31] =	ssyncset.done @!p1 $0x0  }
0xbc: {  	[sflag:s31] =	ssyncadd.s32 @!p1 $0xFFFFC000  }
0xbd: {  	s11 =	sadd.s32 @!p1 s11, s4;
	_ =	swait.ge @!p1 [sflag:s31], $0x80  }
0xbe: {  	s11 =	sadd.s32 @!p1 $0x80, s11;
	s29 =	simm.s32 @!p1 $0x4;
	[sflag:s31] =	ssyncset.done @!p1 $0x0  }
0xbf: {  	[sflag:s31] =	ssyncadd.s32 @!p1 $0xFFFFFF80  }
0xc0: {  	[spmem:s18] =	stream.indirect.scatter.add.f32 @!p1 [tilespmem:s23], [sflag:$0x4], $0x80, s11, s22, $0xb8;
	[tilespmem:$0x1F380] =	vst v63  }
.Ltmp1:
0xc1: {  	_ =	swait.ge @!p1 [sflag:s29], $0x4000;
	(pc) =	sbr.rel @p3 .LBB2_4-.Ltmp1, $4  }
0xc2: {  	s30 =	simm.s32 @!p1 $0x3;
	s23 =	sadd.s32 $0x1, s3;
	[sflag:s29] =	ssyncset.done @!p1 $0x0  }
0xc3: {  	p4 =	sge.u32 s23, s17;
	[sflag:s29] =	ssyncadd.s32 @!p1 $0xFFFFC000  }
0xc4: {  	[spmem:s19] =	stream.indirect.scatter.add.f32 @!p1 [tilespmem:s24], [sflag:$0x3], $0x1, s11, s22, $0xb8;
	[tilespmem:$0x1F380] =	vst v63  }
0xc5: {  	s11 =	sshra.s32 @!p4 s14, $0x2;
	_ =	swait.ge @!p1 [sflag:s30], $0x80  }
0xc6: {  	s21 =	sadd.s32 @!p4 s11, s5;
	s22 =	simm.s32 @!p4 $0x1B280;
	[sflag:s30] =	ssyncset.done @!p1 $0x0  }
0xc7: {  	s23 =	simm.s32 @!p4 $0x80;
	s21 =	sadd.s32 @!p4 $0x80, s21;
	[sflag:s30] =	ssyncadd.s32 @!p1 $0xFFFFFF80  }
0xc8: {  	[tilespmem:s22], [sflag:$0x2] =	stream.indirect.gather @!p4 [hbm4b:s15+s23], $0x80, s21, s23, $0xb8;
	[tilespmem:$0x1F380] =	vst v63  }
0xc9: {  	s24 =	simm.s32 @!p4 $0x1F300  }
0xca: {  	[tilespmem:s24], [sflag:$0x2] =	stream.indirect.gather @!p4 [hbm4b:s20+s23], $0x1, s21, s23, $0xb8;
	[tilespmem:$0x1F380] =	vst v63  }
0xcb: {  	s21 =	simm.s32 @!p2 $0x1  }
0xcc: {  	_ =	swait.ge @!p2 [sflag:s21], $0x4000  }
0xcd: {  	[sflag:s21] =	ssyncset.done @!p2 $0x0  }
0xce: {  	[sflag:s21] =	ssyncadd.s32 @!p2 $0xFFFFC000  }
0xcf: {  	_ =	swait.ge @!p2 [sflag:s21], $0x80  }
0xd0: {  	s29 =	sshra.s32 @!p2 s14, $0x2;
	[sflag:s21] =	ssyncset.done @!p2 $0x0  }
0xd1: {  	s29 =	sadd.s32 @!p2 s29, s4;
	[sflag:s21] =	ssyncadd.s32 @!p2 $0xFFFFFF80;
	s21 =	simm.s32 @!p2 $0x4  }
0xd2: {  	[spmem:s18] =	stream.indirect.scatter.add.f32 @!p2 [tilespmem:s26], [sflag:$0x4], $0x80, s29, s25, $0xb8;
	[tilespmem:$0x1F380] =	vst v63  }
0xd3: {  	_ =	swait.ge @!p2 [sflag:s21], $0x4000  }
0xd4: {  	s3 =	sadd.s32 $0x2, s3;
	[sflag:s21] =	ssyncset.done @!p2 $0x0  }
0xd5: {  	p3 =	sge.u32 s3, s17;
	[sflag:s21] =	ssyncadd.s32 @!p2 $0xFFFFC000  }
0xd6: {  	[spmem:s19] =	stream.indirect.scatter.add.f32 @!p2 [tilespmem:s28], [sflag:$0x4], $0x1, s29, s25, $0xb8;
	[tilespmem:$0x1F380] =	vst v63  }
0xd7: {  	p1 =	por p4, p4;
	s3 =	sshra.s32 @!p3 s14, $0x2;
	_ =	swait.ge @!p2 [sflag:s21], $0x80  }
0xd8: {  	s14 =	simm.s32 @!p3 $0x17280;
	s3 =	sadd.s32 @!p3 s3, s5;
	[sflag:s21] =	ssyncset.done @!p2 $0x0  }
0xd9: {  	s3 =	sadd.s32 @!p3 $0x100, s3;
	s25 =	simm.s32 @!p3 $0x80;
	[sflag:s21] =	ssyncadd.s32 @!p2 $0xFFFFFF80  }
0xda: {  	[tilespmem:s14], [sflag:$0x1] =	stream.indirect.gather @!p3 [hbm4b:s15+s25], $0x80, s3, s25, $0xb8;
	[tilespmem:$0x1F380] =	vst v63  }
0xdb: {  	s21 =	simm.s32 @!p1 $0x2;
	s14 =	simm.s32 @!p3 $0x1F280  }
0xdc: {  	[tilespmem:s14], [sflag:$0x1] =	stream.indirect.gather @!p3 [hbm4b:s20+s25], $0x1, s3, s25, $0xb8;
	[tilespmem:$0x1F380] =	vst v63  }
0xdd: {  	_ =	swait.ge @!p1 [sflag:s21], $0x4000  }
0xde: {  	[sflag:s21] =	ssyncset.done @!p1 $0x0  }
0xdf: {  	[sflag:s21] =	ssyncadd.s32 @!p1 $0xFFFFC000  }
0xe0: {  	_ =	swait.ge @!p1 [sflag:s21], $0x80  }
0xe1: {  	s3 =	sadd.s32 @!p1 s11, s4;
	[sflag:s21] =	ssyncset.done @!p1 $0x0  }
0xe2: {  	s11 =	simm.s32 @!p1 $0x4;
	s3 =	sadd.s32 @!p1 $0x80, s3;
	[sflag:s21] =	ssyncadd.s32 @!p1 $0xFFFFFF80  }
0xe3: {  	[spmem:s18] =	stream.indirect.scatter.add.f32 @!p1 [tilespmem:s22], [sflag:$0x4], $0x80, s3, s23, $0xb8;
	[tilespmem:$0x1F380] =	vst v63  }
0xe4: {  	_ =	swait.ge @!p1 [sflag:s11], $0x4000  }
0xe5: {  	[sflag:s11] =	ssyncset.done @!p1 $0x0  }
0xe6: {  	s14 =	simm.s32 @!p1 $0x3;
	[sflag:s11] =	ssyncadd.s32 @!p1 $0xFFFFC000  }
0xe7: {  	[spmem:s19] =	stream.indirect.scatter.add.f32 @!p1 [tilespmem:s24], [sflag:$0x3], $0x1, s3, s23, $0xb8;
	[tilespmem:$0x1F380] =	vst v63  }
0xe8: {  	_ =	swait.ge @!p1 [sflag:s14], $0x80  }
0xe9: {  	s11 =	simm.s32 @!p0 $0x14280;
	[sflag:s14] =	ssyncset.done @!p1 $0x0  }
0xea: {  	s3 =	simm.s32 @!p0 $0x0;
	[sflag:s14] =	ssyncadd.s32 @!p1 $0xFFFFFF80;
	s14 =	rddreg [dreg:$0x7]  }
0xeb: {  	[tilespmem:s11], [sflag:$0x3] =	stream.linear.gather @!p0 [hbm4b:s14+s3], $0x1800, $0x38;
	[tilespmem:$0x1F380] =	vst v63  }
0xec: {  	s11 =	simm.s32 @!p0 $0x3  }
0xed: {  	_ =	swait.ge @!p0 [sflag:s11], $0x1800  }
0xee: {  	[sflag:s11] =	ssyncset.done @!p0 $0x0  }
0xef: {  	s14 =	simm.s32 @!p0 $0x15A80;
	s21 =	rddreg [dreg:$0x8];
	[sflag:s11] =	ssyncadd.s32 @!p0 $0xFFFFE800  }
0xf0: {  	[tilespmem:s14], [sflag:$0x3] =	stream.linear.gather @!p0 [hbm4b:s21+s3], $0x1800, $0x38;
	[tilespmem:$0x1F380] =	vst v63  }
0xf1: {  	_ =	swait.ge @!p0 [sflag:s11], $0x1800  }
0xf2: {  	s3 =	simm.s32 @!p0 $0x80;
	[sflag:s11] =	ssyncset.done @!p0 $0x0  }
0xf3: {  	s14 =	rddreg [dreg:$0x1b];
	[sflag:s11] =	ssyncadd.s32 @!p0 $0xFFFFE800;
	s11 =	simm.s32 @!p0 $0x17280  }
0xf4: {  	[tilespmem:s11], [sflag:$0x1] =	stream.indirect.gather @!p0 [hbm4b:s15+s3], $0x80, s14, s3, $0xb8;
	[tilespmem:$0x1F380] =	vst v63  }
0xf5: {  	p1 =	sle.u32 s1, $0x1;
	s11 =	simm.s32 @!p0 $0x1F280  }
0xf6: {  	[tilespmem:s11], [sflag:$0x1] =	stream.indirect.gather @!p0 [hbm4b:s20+s3], $0x1, s14, s3, $0xb8;
	[tilespmem:$0x1F380] =	vst v63  }
0xf7: {  	s3 =	sadd.s32 @!p1 $0x0, s7  }
0xf8: {  	s11 =	simm.s32 @!p1 $0x1B280;
	s14 =	simm.s32 @!p1 $0x80;
	s3 =	sadd.s32 @!p1 $0x1480, s3  }
0xf9: {  	[tilespmem:s11], [sflag:$0x2] =	stream.indirect.gather @!p1 [hbm4b:s15+s14], $0x80, s3, s14, $0xb8;
	[tilespmem:$0x1F380] =	vst v63  }
0xfa: {  	p2 =	sle.u32 s1, $0x0;
	s21 =	simm.s32 @!p1 $0x1F300  }
0xfb: {  	[tilespmem:s21], [sflag:$0x2] =	stream.indirect.gather @!p1 [hbm4b:s20+s14], $0x1, s3, s14, $0xb8;
	[tilespmem:$0x1F380] =	vst v63  }
0xfc: {  	s3 =	simm.s32 @!p2 $0x1  }
0xfd: {  	_ =	swait.ge @!p2 [sflag:s3], $0x4000  }
0xfe: {  	[sflag:s3] =	ssyncset.done @!p2 $0x0  }
0xff: {  	[sflag:s3] =	ssyncadd.s32 @!p2 $0xFFFFC000  }
0x100: {  	s22 =	sadd.s32 @!p2 $0x0, s6;
	_ =	swait.ge @!p2 [sflag:s3], $0x80  }
0x101: {  	s22 =	sadd.s32 @!p2 $0x1400, s22;
	s23 =	simm.s32 @!p2 $0x17280;
	[sflag:s3] =	ssyncset.done @!p2 $0x0  }
0x102: {  	s24 =	simm.s32 @!p2 $0x80;
	[sflag:s3] =	ssyncadd.s32 @!p2 $0xFFFFFF80;
	s3 =	simm.s32 @!p2 $0x4  }
0x103: {  	[spmem:s18] =	stream.indirect.scatter.add.f32 @!p2 [tilespmem:s23], [sflag:$0x4], $0x80, s22, s24, $0xb8;
	[tilespmem:$0x1F380] =	vst v63  }
0x104: {  	_ =	swait.ge @!p2 [sflag:s3], $0x4000  }
0x105: {  	[sflag:s3] =	ssyncset.done @!p2 $0x0  }
0x106: {  	s23 =	simm.s32 @!p2 $0x1F280;
	[sflag:s3] =	ssyncadd.s32 @!p2 $0xFFFFC000  }
0x107: {  	[spmem:s19] =	stream.indirect.scatter.add.f32 @!p2 [tilespmem:s23], [sflag:$0x4], $0x1, s22, s24, $0xb8;
	[tilespmem:$0x1F380] =	vst v63  }
0x108: {  	p3 =	sle.u32 s1, $0x2;
	p1 =	por p1, p1;
	_ =	swait.ge @!p2 [sflag:s3], $0x80  }
0x109: {  	s22 =	simm.s32 @!p3 $0x17280;
	s23 =	sadd.s32 @!p3 $0x0, s7;
	[sflag:s3] =	ssyncset.done @!p2 $0x0  }
0x10a: {  	s24 =	simm.s32 @!p3 $0x80;
	[sflag:s3] =	ssyncadd.s32 @!p2 $0xFFFFFF80;
	s3 =	sadd.s32 @!p3 $0x1500, s23  }
0x10b: {  	[tilespmem:s22], [sflag:$0x1] =	stream.indirect.gather @!p3 [hbm4b:s15+s24], $0x80, s3, s24, $0xb8;
	[tilespmem:$0x1F380] =	vst v63  }
0x10c: {  	s23 =	simm.s32 @!p1 $0x2;
	s22 =	simm.s32 @!p3 $0x1F280  }
0x10d: {  	[tilespmem:s22], [sflag:$0x1] =	stream.indirect.gather @!p3 [hbm4b:s20+s24], $0x1, s3, s24, $0xb8;
	[tilespmem:$0x1F380] =	vst v63  }
0x10e: {  	_ =	swait.ge @!p1 [sflag:s23], $0x4000  }
0x10f: {  	[sflag:s23] =	ssyncset.done @!p1 $0x0  }
0x110: {  	[sflag:s23] =	ssyncadd.s32 @!p1 $0xFFFFC000  }
0x111: {  	_ =	swait.ge @!p1 [sflag:s23], $0x80  }
0x112: {  	s3 =	sadd.s32 @!p1 $0x0, s6;
	[sflag:s23] =	ssyncset.done @!p1 $0x0  }
0x113: {  	s22 =	simm.s32 @!p1 $0x4;
	s3 =	sadd.s32 @!p1 $0x1480, s3;
	[sflag:s23] =	ssyncadd.s32 @!p1 $0xFFFFFF80  }
0x114: {  	[spmem:s18] =	stream.indirect.scatter.add.f32 @!p1 [tilespmem:s11], [sflag:$0x4], $0x80, s3, s14, $0xb8;
	[tilespmem:$0x1F380] =	vst v63  }
0x115: {  	_ =	swait.ge @!p1 [sflag:s22], $0x4000  }
0x116: {  	[sflag:s22] =	ssyncset.done @!p1 $0x0  }
0x117: {  	p4 =	sle.u32 s1, $0x3;
	[sflag:s22] =	ssyncadd.s32 @!p1 $0xFFFFC000  }
0x118: {  	[spmem:s19] =	stream.indirect.scatter.add.f32 @!p1 [tilespmem:s21], [sflag:$0x3], $0x1, s3, s14, $0xb8;
	[tilespmem:$0x1F380] =	vst v63  }
0x119: {  	s30 =	simm.s32 @!p1 $0x3;
	s11 =	simm.s32 $0x400;
	s21 =	simm.s32 $0x800  }
0x11a: {  	s14 =	simm.s32 $0x2;
	s3 =	simm.s32 @!p4 $0x100;
	_ =	swait.ge @!p1 [sflag:s30], $0x80  }
.LBB2_6:
0x11b: {  	s22 =	sadd.s32 @!p4 s3, s7  }
0x11c: {  	s23 =	simm.s32 @!p4 $0x1B280;
	[sflag:s30] =	ssyncset.done @!p1 $0x0;
	s29 =	smov.u32 s21  }
0x11d: {  	s25 =	sadd.s32 @!p4 $0x1480, s22;
	s22 =	simm.s32 @!p4 $0x80;
	[sflag:s30] =	ssyncadd.s32 @!p1 $0xFFFFFF80  }
0x11e: {  	[tilespmem:s23], [sflag:$0x2] =	stream.indirect.gather @!p4 [hbm4b:s15+s22], $0x80, s25, s22, $0xb8;
	[tilespmem:$0x1F380] =	vst v63  }
0x11f: {  	s21 =	sadd.s32 $0x400, s21;
	s24 =	simm.s32 @!p4 $0x1F300;
	p5 =	sge.u32 s14, s1  }
0x120: {  	[tilespmem:s24], [sflag:$0x2] =	stream.indirect.gather @!p4 [hbm4b:s20+s22], $0x1, s25, s22, $0xb8;
	[tilespmem:$0x1F380] =	vst v63  }
0x121: {  	p3 =	sne.s32 s21, $0x5000;
	s26 =	sshra.s32 @!p5 s11, $0x2;
	s25 =	simm.s32 @!p5 $0x1  }
0x122: {  	p1 =	por p4, p4;
	s26 =	sadd.s32 @!p5 s26, s6;
	_ =	swait.ge @!p5 [sflag:s25], $0x4000  }
0x123: {  	[sflag:s25] =	ssyncset.done @!p5 $0x0  }
0x124: {  	[sflag:s25] =	ssyncadd.s32 @!p5 $0xFFFFC000  }
0x125: {  	s28 =	simm.s32 @!p5 $0x17280;
	_ =	swait.ge @!p5 [sflag:s25], $0x80  }
0x126: {  	s30 =	simm.s32 @!p5 $0x80;
	s26 =	sadd.s32 @!p5 $0x1400, s26;
	[sflag:s25] =	ssyncset.done @!p5 $0x0  }
0x127: {  	s31 =	simm.s32 @!p5 $0x4;
	[sflag:s25] =	ssyncadd.s32 @!p5 $0xFFFFFF80  }
0x128: {  	[spmem:s18] =	stream.indirect.scatter.add.f32 @!p5 [tilespmem:s28], [sflag:$0x4], $0x80, s26, s30, $0xb8;
	[tilespmem:$0x1F380] =	vst v63  }
0x129: {  	_ =	swait.ge @!p5 [sflag:s31], $0x4000  }
0x12a: {  	s14 =	sadd.s32 $0x2, s14;
	s25 =	simm.s32 @!p5 $0x1F280;
	[sflag:s31] =	ssyncset.done @!p5 $0x0  }
0x12b: {  	p2 =	sge.u32 s14, s1;
	[sflag:s31] =	ssyncadd.s32 @!p5 $0xFFFFC000  }
0x12c: {  	[spmem:s19] =	stream.indirect.scatter.add.f32 @!p5 [tilespmem:s25], [sflag:$0x4], $0x1, s26, s30, $0xb8;
	[tilespmem:$0x1F380] =	vst v63  }
0x12d: {  	s11 =	sshra.s32 @!p2 s11, $0x2;
	s26 =	simm.s32 @!p2 $0x17280;
	_ =	swait.ge @!p5 [sflag:s31], $0x80  }
0x12e: {  	s11 =	sadd.s32 @!p2 s11, s7;
	s25 =	simm.s32 @!p2 $0x80;
	[sflag:s31] =	ssyncset.done @!p5 $0x0  }
0x12f: {  	s28 =	simm.s32 @!p2 $0x1F280;
	s30 =	sadd.s32 @!p2 $0x1500, s11;
	[sflag:s31] =	ssyncadd.s32 @!p5 $0xFFFFFF80  }
0x130: {  	[tilespmem:s26], [sflag:$0x1] =	stream.indirect.gather @!p2 [hbm4b:s15+s25], $0x80, s30, s25, $0xb8;
	[tilespmem:$0x1F380] =	vst v63  }
0x131: {  	s11 =	smov.u32 s29;
	s31 =	simm.s32 @!p1 $0x2  }
0x132: {  	[tilespmem:s28], [sflag:$0x1] =	stream.indirect.gather @!p2 [hbm4b:s20+s25], $0x1, s30, s25, $0xb8;
	[tilespmem:$0x1F380] =	vst v63  }
0x133: {  	_ =	swait.ge @!p1 [sflag:s31], $0x4000  }
0x134: {  	[sflag:s31] =	ssyncset.done @!p1 $0x0  }
0x135: {  	[sflag:s31] =	ssyncadd.s32 @!p1 $0xFFFFC000  }
0x136: {  	s3 =	sadd.s32 @!p1 s3, s6;
	_ =	swait.ge @!p1 [sflag:s31], $0x80  }
0x137: {  	s3 =	sadd.s32 @!p1 $0x1480, s3;
	s29 =	simm.s32 @!p1 $0x4;
	[sflag:s31] =	ssyncset.done @!p1 $0x0  }
0x138: {  	[sflag:s31] =	ssyncadd.s32 @!p1 $0xFFFFFF80  }
0x139: {  	[spmem:s18] =	stream.indirect.scatter.add.f32 @!p1 [tilespmem:s23], [sflag:$0x4], $0x80, s3, s22, $0xb8;
	[tilespmem:$0x1F380] =	vst v63  }
.Ltmp2:
0x13a: {  	_ =	swait.ge @!p1 [sflag:s29], $0x4000;
	(pc) =	sbr.rel @p3 .LBB2_6-.Ltmp2, $4  }
0x13b: {  	s30 =	simm.s32 @!p1 $0x3;
	s23 =	sadd.s32 $0x1, s14;
	[sflag:s29] =	ssyncset.done @!p1 $0x0  }
0x13c: {  	p4 =	sge.u32 s23, s1;
	[sflag:s29] =	ssyncadd.s32 @!p1 $0xFFFFC000  }
0x13d: {  	[spmem:s19] =	stream.indirect.scatter.add.f32 @!p1 [tilespmem:s24], [sflag:$0x3], $0x1, s3, s22, $0xb8;
	[tilespmem:$0x1F380] =	vst v63  }
0x13e: {  	s3 =	sshra.s32 @!p4 s11, $0x2;
	_ =	swait.ge @!p1 [sflag:s30], $0x80  }
0x13f: {  	s21 =	sadd.s32 @!p4 s3, s7;
	s22 =	simm.s32 @!p4 $0x1B280;
	[sflag:s30] =	ssyncset.done @!p1 $0x0  }
0x140: {  	s23 =	simm.s32 @!p4 $0x80;
	s21 =	sadd.s32 @!p4 $0x1480, s21;
	[sflag:s30] =	ssyncadd.s32 @!p1 $0xFFFFFF80  }
0x141: {  	[tilespmem:s22], [sflag:$0x2] =	stream.indirect.gather @!p4 [hbm4b:s15+s23], $0x80, s21, s23, $0xb8;
	[tilespmem:$0x1F380] =	vst v63  }
0x142: {  	s24 =	simm.s32 @!p4 $0x1F300  }
0x143: {  	[tilespmem:s24], [sflag:$0x2] =	stream.indirect.gather @!p4 [hbm4b:s20+s23], $0x1, s21, s23, $0xb8;
	[tilespmem:$0x1F380] =	vst v63  }
0x144: {  	s21 =	simm.s32 @!p2 $0x1  }
0x145: {  	_ =	swait.ge @!p2 [sflag:s21], $0x4000  }
0x146: {  	[sflag:s21] =	ssyncset.done @!p2 $0x0  }
0x147: {  	[sflag:s21] =	ssyncadd.s32 @!p2 $0xFFFFC000  }
0x148: {  	s29 =	sshra.s32 @!p2 s11, $0x2;
	_ =	swait.ge @!p2 [sflag:s21], $0x80  }
0x149: {  	s29 =	sadd.s32 @!p2 s29, s6;
	[sflag:s21] =	ssyncset.done @!p2 $0x0  }
0x14a: {  	[sflag:s21] =	ssyncadd.s32 @!p2 $0xFFFFFF80;
	s21 =	sadd.s32 @!p2 $0x1400, s29  }
0x14b: {  	[spmem:s18] =	stream.indirect.scatter.add.f32 @!p2 [tilespmem:s26], [sflag:$0x4], $0x80, s21, s25, $0xb8;
	[tilespmem:$0x1F380] =	vst v63  }
0x14c: {  	s26 =	simm.s32 @!p2 $0x4  }
0x14d: {  	_ =	swait.ge @!p2 [sflag:s26], $0x4000  }
0x14e: {  	s14 =	sadd.s32 $0x2, s14;
	[sflag:s26] =	ssyncset.done @!p2 $0x0  }
0x14f: {  	p1 =	sge.u32 s14, s1;
	[sflag:s26] =	ssyncadd.s32 @!p2 $0xFFFFC000  }
0x150: {  	[spmem:s19] =	stream.indirect.scatter.add.f32 @!p2 [tilespmem:s28], [sflag:$0x4], $0x1, s21, s25, $0xb8;
	[tilespmem:$0x1F380] =	vst v63  }
0x151: {  	s11 =	sshra.s32 @!p1 s11, $0x2;
	_ =	swait.ge @!p2 [sflag:s26], $0x80  }
0x152: {  	s14 =	simm.s32 @!p1 $0x17280;
	s11 =	sadd.s32 @!p1 s11, s7;
	[sflag:s26] =	ssyncset.done @!p2 $0x0  }
0x153: {  	s11 =	sadd.s32 @!p1 $0x1500, s11;
	s21 =	simm.s32 @!p1 $0x80;
	[sflag:s26] =	ssyncadd.s32 @!p2 $0xFFFFFF80  }
0x154: {  	[tilespmem:s14], [sflag:$0x1] =	stream.indirect.gather @!p1 [hbm4b:s15+s21], $0x80, s11, s21, $0xb8;
	[tilespmem:$0x1F380] =	vst v63  }
0x155: {  	s14 =	simm.s32 @!p1 $0x1F280  }
0x156: {  	[tilespmem:s14], [sflag:$0x1] =	stream.indirect.gather @!p1 [hbm4b:s20+s21], $0x1, s11, s21, $0xb8;
	[tilespmem:$0x1F380] =	vst v63  }
0x157: {  	p1 =	por p4, p4  }
0x158: {  	s11 =	simm.s32 @!p1 $0x2  }
0x159: {  	_ =	swait.ge @!p1 [sflag:s11], $0x4000  }
0x15a: {  	[sflag:s11] =	ssyncset.done @!p1 $0x0  }
0x15b: {  	[sflag:s11] =	ssyncadd.s32 @!p1 $0xFFFFC000  }
0x15c: {  	_ =	swait.ge @!p1 [sflag:s11], $0x80  }
0x15d: {  	s3 =	sadd.s32 @!p1 s3, s6;
	[sflag:s11] =	ssyncset.done @!p1 $0x0  }
0x15e: {  	s3 =	sadd.s32 @!p1 $0x1480, s3;
	[sflag:s11] =	ssyncadd.s32 @!p1 $0xFFFFFF80;
	s11 =	simm.s32 @!p1 $0x4  }
0x15f: {  	[spmem:s18] =	stream.indirect.scatter.add.f32 @!p1 [tilespmem:s22], [sflag:$0x4], $0x80, s3, s23, $0xb8;
	[tilespmem:$0x1F380] =	vst v63  }
0x160: {  	_ =	swait.ge @!p1 [sflag:s11], $0x4000  }
0x161: {  	[sflag:s11] =	ssyncset.done @!p1 $0x0  }
0x162: {  	[sflag:s11] =	ssyncadd.s32 @!p1 $0xFFFFC000  }
0x163: {  	[spmem:s19] =	stream.indirect.scatter.add.f32 @!p1 [tilespmem:s24], [sflag:$0x3], $0x1, s3, s23, $0xb8;
	[tilespmem:$0x1F380] =	vst v63  }
0x164: {  	s3 =	simm.s32 @!p1 $0x3  }
0x165: {  	_ =	swait.ge @!p1 [sflag:s3], $0x80  }
0x166: {  	[sflag:s3] =	ssyncset.done @!p1 $0x0  }
0x167: {  	[sflag:s3] =	ssyncadd.s32 @!p1 $0xFFFFFF80  }
0x168: {  	[bflag:$0x0] =	sbarrier.arrive $0xFFFF  }
0x169: {  	[tilespmem:s8], [sflag:$0x3] =	stream.linear.gather [spmem:s0], $0x4000, $0x38;
	[tilespmem:$0x1F380] =	vst v63  }
0x16a: {  	_ =	swait.ge [sflag:s10], $0x4000  }
0x16b: {  	[sflag:s10] =	ssyncset.done $0x0  }
0x16c: {  	s31 =	simm.s32 $0x1B280;
	[sflag:s10] =	ssyncadd.s32 $0xFFFFC000  }
0x16d: {  	[tilespmem:s31], [sflag:$0x2] =	stream.linear.gather [spmem:s2], $0x4000, $0x38;
	[tilespmem:$0x1F380] =	vst v63  }
0x16e: {  	s11 =	rddreg [dreg:$0x9]  }
0x16f: {  	[hbm4b:s11+s16] =	stream.linear.scatter [tilespmem:s8], [sflag:$0x3], $0x4000, $0x38;
	[tilespmem:$0x1F380] =	vst v63  }
0x170: {  	_ =	swait.ge [sflag:s10], $0x4000  }
0x171: {  	[sflag:s10] =	ssyncset.done $0x0  }
0x172: {  	[sflag:s10] =	ssyncadd.s32 $0xFFFFC000  }
0x173: {  	_ =	swait.ge [sflag:s9], $0x4000  }
0x174: {  	[sflag:s9] =	ssyncset.done $0x0  }
0x175: {  	[sflag:s9] =	ssyncadd.s32 $0xFFFFC000  }
0x176: {  	[tilespmem:s8], [sflag:$0x2] =	stream.linear.gather [spmem:s12], $0x4000, $0x38;
	[tilespmem:$0x1F380] =	vst v63  }
0x177: {  	s22 =	rddreg [dreg:$0xa]  }
0x178: {  	[hbm4b:s22+s16] =	stream.linear.scatter [tilespmem:s31], [sflag:$0x3], $0x4000, $0x38;
	[tilespmem:$0x1F380] =	vst v63  }
0x179: {  	_ =	swait.ge [sflag:s10], $0x4000  }
0x17a: {  	[sflag:s10] =	ssyncset.done $0x0  }
0x17b: {  	[sflag:s10] =	ssyncadd.s32 $0xFFFFC000  }
0x17c: {  	_ =	swait.ge [sflag:s9], $0x4000  }
0x17d: {  	[sflag:s9] =	ssyncset.done $0x0  }
0x17e: {  	s25 =	rddreg [dreg:$0x15];
	[sflag:s9] =	ssyncadd.s32 $0xFFFFC000  }
0x17f: {  	[tilespmem:s31], [sflag:$0x2] =	stream.linear.gather [spmem:s25], $0x4000, $0x38;
	[tilespmem:$0x1F380] =	vst v63  }
0x180: {  	s24 =	rddreg [dreg:$0xb]  }
0x181: {  	[hbm4b:s24+s16] =	stream.linear.scatter [tilespmem:s8], [sflag:$0x3], $0x4000, $0x38;
	[tilespmem:$0x1F380] =	vst v63  }
0x182: {  	_ =	swait.ge [sflag:s10], $0x4000  }
0x183: {  	[sflag:s10] =	ssyncset.done $0x0  }
0x184: {  	[sflag:s10] =	ssyncadd.s32 $0xFFFFC000  }
0x185: {  	_ =	swait.ge [sflag:s9], $0x4000  }
0x186: {  	[sflag:s9] =	ssyncset.done $0x0  }
0x187: {  	s28 =	rddreg [dreg:$0x18];
	[sflag:s9] =	ssyncadd.s32 $0xFFFFC000  }
0x188: {  	[tilespmem:s8], [sflag:$0x2] =	stream.linear.gather [spmem:s28], $0x4000, $0x38;
	[tilespmem:$0x1F380] =	vst v63  }
0x189: {  	s26 =	rddreg [dreg:$0xc]  }
0x18a: {  	[hbm4b:s26+s16] =	stream.linear.scatter [tilespmem:s31], [sflag:$0x3], $0x4000, $0x38;
	[tilespmem:$0x1F380] =	vst v63  }
0x18b: {  	_ =	swait.ge [sflag:s10], $0x4000  }
0x18c: {  	[sflag:s10] =	ssyncset.done $0x0  }
0x18d: {  	[sflag:s10] =	ssyncadd.s32 $0xFFFFC000  }
0x18e: {  	_ =	swait.ge [sflag:s9], $0x4000  }
0x18f: {  	[sflag:s9] =	ssyncset.done $0x0  }
0x190: {  	s30 =	rddreg [dreg:$0xd];
	[sflag:s9] =	ssyncadd.s32 $0xFFFFC000  }
0x191: {  	[hbm4b:s30+s16] =	stream.linear.scatter [tilespmem:s8], [sflag:$0x3], $0x4000, $0x38;
	[tilespmem:$0x1F380] =	vst v63  }
0x192: {  	_ =	swait.ge [sflag:s10], $0x4000  }
0x193: {  	[sflag:s10] =	ssyncset.done $0x0  }
0x194: {  	s23 =	smov.u32 s12;
	s12 =	rddreg [dreg:$0x16];
	[sflag:s10] =	ssyncadd.s32 $0xFFFFC000  }
0x195: {  	[tilespmem:s8], [sflag:$0x3] =	stream.linear.gather [spmem:s12], $0x80, $0x38;
	[tilespmem:$0x1F380] =	vst v63  }
0x196: {  	_ =	swait.ge [sflag:s10], $0x80  }
0x197: {  	[sflag:s10] =	ssyncset.done $0x0  }
0x198: {  	s31 =	rddreg [dreg:$0xe];
	[sflag:s10] =	ssyncadd.s32 $0xFFFFFF80  }
0x199: {  	[hbm4b:s31+s16] =	stream.linear.scatter [tilespmem:s8], [sflag:$0x3], $0x80, $0x38;
	[tilespmem:$0x1F380] =	vst v63  }
0x19a: {  	_ =	swait.ge [sflag:s10], $0x80  }
0x19b: {  	[sflag:s10] =	ssyncset.done $0x0  }
0x19c: {  	s22 =	rddreg [dreg:$0x13];
	[sflag:s10] =	ssyncadd.s32 $0xFFFFFF80  }
0x19d: {  	[tilespmem:s8], [sflag:$0x3] =	stream.linear.gather [spmem:s22], $0x80, $0x38;
	[tilespmem:$0x1F380] =	vst v63  }
0x19e: {  	_ =	swait.ge [sflag:s10], $0x80  }
0x19f: {  	[sflag:s10] =	ssyncset.done $0x0  }
0x1a0: {  	s14 =	smov.u32 s0;
	s0 =	rddreg [dreg:$0xf];
	[sflag:s10] =	ssyncadd.s32 $0xFFFFFF80  }
0x1a1: {  	[hbm4b:s0+s16] =	stream.linear.scatter [tilespmem:s8], [sflag:$0x3], $0x80, $0x38;
	[tilespmem:$0x1F380] =	vst v63  }
0x1a2: {  	_ =	swait.ge [sflag:s10], $0x80  }
0x1a3: {  	[sflag:s10] =	ssyncset.done $0x0  }
0x1a4: {  	s24 =	rddreg [dreg:$0x14];
	[sflag:s10] =	ssyncadd.s32 $0xFFFFFF80  }
0x1a5: {  	[tilespmem:s8], [sflag:$0x3] =	stream.linear.gather [spmem:s24], $0x80, $0x38;
	[tilespmem:$0x1F380] =	vst v63  }
0x1a6: {  	_ =	swait.ge [sflag:s10], $0x80  }
0x1a7: {  	[sflag:s10] =	ssyncset.done $0x0  }
0x1a8: {  	s21 =	smov.u32 s2;
	s2 =	rddreg [dreg:$0x10];
	[sflag:s10] =	ssyncadd.s32 $0xFFFFFF80  }
0x1a9: {  	[hbm4b:s2+s16] =	stream.linear.scatter [tilespmem:s8], [sflag:$0x3], $0x80, $0x38;
	[tilespmem:$0x1F380] =	vst v63  }
0x1aa: {  	_ =	swait.ge [sflag:s10], $0x80  }
0x1ab: {  	[sflag:s10] =	ssyncset.done $0x0  }
0x1ac: {  	s26 =	rddreg [dreg:$0x17];
	[sflag:s10] =	ssyncadd.s32 $0xFFFFFF80  }
0x1ad: {  	[tilespmem:s8], [sflag:$0x3] =	stream.linear.gather [spmem:s26], $0x80, $0x38;
	[tilespmem:$0x1F380] =	vst v63  }
0x1ae: {  	_ =	swait.ge [sflag:s10], $0x80  }
0x1af: {  	[sflag:s10] =	ssyncset.done $0x0  }
0x1b0: {  	s11 =	rddreg [dreg:$0x11];
	[sflag:s10] =	ssyncadd.s32 $0xFFFFFF80  }
0x1b1: {  	[hbm4b:s11+s16] =	stream.linear.scatter [tilespmem:s8], [sflag:$0x3], $0x80, $0x38;
	[tilespmem:$0x1F380] =	vst v63  }
0x1b2: {  	_ =	swait.ge [sflag:s10], $0x80  }
0x1b3: {  	[sflag:s10] =	ssyncset.done $0x0  }
0x1b4: {  	s29 =	rddreg [dreg:$0x19];
	[sflag:s10] =	ssyncadd.s32 $0xFFFFFF80  }
0x1b5: {  	[tilespmem:s8], [sflag:$0x3] =	stream.linear.gather [spmem:s29], $0x80, $0x38;
	[tilespmem:$0x1F380] =	vst v63  }
0x1b6: {  	_ =	swait.ge [sflag:s10], $0x80  }
0x1b7: {  	[sflag:s10] =	ssyncset.done $0x0  }
0x1b8: {  	s30 =	rddreg [dreg:$0x12];
	[sflag:s10] =	ssyncadd.s32 $0xFFFFFF80  }
0x1b9: {  	[hbm4b:s30+s16] =	stream.linear.scatter [tilespmem:s8], [sflag:$0x3], $0x80, $0x38;
	[tilespmem:$0x1F380] =	vst v63  }
0x1ba: {  	_ =	swait.ge [sflag:s10], $0x80  }
0x1bb: {  	s13 =	sadd.s32 $0x1, s13;
	s31 =	rddreg [dreg:$0x1c]  }
0x1bc: {  	p1 =	sne.s32 s13, s31  }
.Ltmp3:
0x1bd: {  	_ = 	snop;
	(pc) =	sbr.rel @p1 .LBB2_1-.Ltmp3, $3  }
0x1be: {  	_ =	sdelay $0x1  }
0x1bf: {  	[sflag:s10] =	ssyncset.done $0x0  }
0x1c0: {  	[sflag:s10] =	ssyncadd.s32 $0xFFFFFF80  }
0x1c1: {  	_ =	sfence.sel $0x180000  }
0x1c2: {  	[bflag:$0x0] =	sbarrier.arrive $0xFFFF  }
0x1c3: {  	_ =	strace $0x90000047  }
0x1c4: {  	s0 =	stileid.u32;
	[bflag:$0x2] =	sbarrier.arrive $0xFFFF  }
0x1c5: {  	p0 =	sne.s32 s0, $0x0;
	s0 =	rddreg [dreg:$0x4]  }
0x1c6: {  	s0 =	sadd.s32 @!p0 $0x100000, s0  }
0x1c7: {  	[sflag:s0] =	ssyncadd.tile.s32 @!p0 $0x1;
	_ =	shalt  }
.Lfunc_end2:
_tile_overlayer_lowered:
.L_overlay_start_2:
0x1c8: {  	(tag) =	ssettag $0x2  }
0x1c9: {  	s0 =	rddreg [dreg:$0x0];
	s2 =	stileid.u32  }
0x1ca: {  	s1 =	rddreg [dreg:$0x1];
	p0 =	sne.s32 s2, $0x0  }
0x1cb: {  	s3 =	rddreg [dreg:$0x2];
	[bflag:$0x3] =	sbarrier.arrive $0xFFFF;
	s2 =	simm.s32 @!p0 $0x1C03  }
0x1cc: {  	[timem:s3], [sflag:s2] =	dma.local @!p0 [hbm:s0], s1  }
0x1cd: {  	s0 =	simm.s32 @!p0 $0x3  }
0x1ce: {  	_ =	swait.ge @!p0 [sflag:s0], s1  }
0x1cf: {  	s1 =	ssub.s32 @!p0 $0x0, s1;
	[sflag:s0] =	ssyncset.done @!p0 $0x0  }
0x1d0: {  	[sflag:s0] =	ssyncadd.s32 @!p0 s1  }
0x1d1: {  	[bflag:$0x3] =	sbarrier.arrive $0xFFFF  }
0x1d2: {  	_ =	shalt  }

</sc_bundles>
